<compile_context>
chip_gen: v7x
topology: tpu7x:2x2x1
jax: 0.10.2.dev20260603
libtpu: 0.0.44.dev20260713+nightly
codegen_flags: <defaults>
</compile_context>

<pallas_src>
import functools

import jax
import jax.numpy as jnp
from jax import lax
from jax.experimental import pallas as pl
from jax.experimental.pallas import tpu as pltpu
from jax.experimental.pallas import tpu_sc as plsc

NE = 8192
ED = 32
BR = 512
CH = 4096
N_ROWS = 32768


def _round_bf16_bits(x):
    bits = jax.lax.bitcast_convert_type(x, jnp.uint32)
    add = ((bits >> 16) & jnp.uint32(1)) + jnp.uint32(0x7FFF)
    rbits = (bits + add) & jnp.uint32(0xFFFF0000)
    return jax.lax.bitcast_convert_type(rbits, jnp.float32)


def _chunk_argmin(s2, z2, w2_ref, lo):
    acc_v = None
    acc_k = None
    for k in range(CH // 128):
        sl = s2[:, lo + k * 128: lo + (k + 1) * 128]
        d = (z2 + w2_ref[:, lo + k * 128: lo + (k + 1) * 128]) - sl
        if acc_v is None:
            acc_v = d
            acc_k = jnp.zeros(d.shape, jnp.int32)
        else:
            upd = d < acc_v
            acc_v = jnp.where(upd, d, acc_v)
            acc_k = jnp.where(upd, k, acc_k)
    m = jnp.min(acc_v, axis=1, keepdims=True)
    lane = jax.lax.broadcasted_iota(jnp.int32, acc_v.shape, 1)
    j = acc_k * 128 + lane + lo
    idx = jnp.min(jnp.where(acc_v == m, j, NE), axis=1, keepdims=True)
    return m, idx


def _vq_block(z_ref, w_ref, z2_ref, w2_ref, codes_ref, loss_ref):
    i = pl.program_id(0)
    zb2 = z_ref[...] + z_ref[...]
    w = w_ref[...]
    s2 = jax.lax.dot_general(zb2, w, (((1,), (1,)), ((), ())),
                             preferred_element_type=jnp.float32)
    z2 = z2_ref[...]
    m0, i0 = _chunk_argmin(s2, z2, w2_ref, 0)
    m1, i1 = _chunk_argmin(s2, z2, w2_ref, CH)
    take1 = m1 < _round_bf16_bits(m0)
    codes = jnp.where(take1, i1, i0)
    sel_min = jnp.where(take1, m1, m0)
    codes_ref[...] = codes.reshape(1, 1, BR)
    lsum = jnp.sum(sel_min)

    @pl.when(i == 0)
    def _():
        loss_ref[0, 0] = 0.0

    loss_ref[0, 0] += lsum


_SC_INFO = plsc.get_sparse_core_info()
_NW = _SC_INFO.num_cores * _SC_INFO.num_subcores
_B_PER_W = N_ROWS // _NW
_B_CHUNK = _B_PER_W // 2
_PD = 128


def _sc_gather(table_hbm, idx_hbm, out_hbm, idx_v, rows_v, sem):
    wid = lax.axis_index("s") * _SC_INFO.num_cores + lax.axis_index("c")
    base = wid * _B_PER_W
    for k in range(_B_PER_W // _B_CHUNK):
        off = base + k * _B_CHUNK
        pltpu.sync_copy(idx_hbm.at[pl.ds(off, _B_CHUNK)], idx_v)
        pltpu.async_copy(table_hbm.at[idx_v], rows_v, sem).wait()
        pltpu.sync_copy(rows_v, out_hbm.at[pl.ds(off, _B_CHUNK)])


def kernel(z, W):
    n = z.shape[0] * z.shape[1]
    z_flat = z.reshape(n, ED)
    z2 = jnp.sum(z_flat ** 2, axis=1, keepdims=True)
    w2 = jnp.sum(W ** 2, axis=1).reshape(1, NE)
    grid = n // BR
    codes3, loss = pl.pallas_call(
        _vq_block,
        grid=(grid,),
        in_specs=[
            pl.BlockSpec((BR, ED), lambda i: (i, 0)),
            pl.BlockSpec((NE, ED), lambda i: (0, 0)),
            pl.BlockSpec((BR, 1), lambda i: (i, 0)),
            pl.BlockSpec((1, NE), lambda i: (0, 0)),
        ],
        out_specs=[
            pl.BlockSpec((1, 1, BR), lambda i: (i, 0, 0)),
            pl.BlockSpec(memory_space=pltpu.SMEM),
        ],
        out_shape=[
            jax.ShapeDtypeStruct((grid, 1, BR), jnp.int32),
            jax.ShapeDtypeStruct((1, 1), jnp.float32),
        ],
    )(z_flat, W, z2, w2)
    codes = codes3.reshape(n)

    w_pad = jnp.pad(W, ((0, 0), (0, _PD - ED)))
    mesh = plsc.VectorSubcoreMesh(core_axis_name="c", subcore_axis_name="s")
    gather = functools.partial(
        pl.kernel, mesh=mesh,
        out_type=jax.ShapeDtypeStruct((n, _PD), jnp.float32),
        scratch_types=[
            pltpu.VMEM((_B_CHUNK,), jnp.int32),
            pltpu.VMEM((_B_CHUNK, _PD), jnp.float32),
            pltpu.SemaphoreType.DMA,
        ],
    )(_sc_gather)
    zst = gather(w_pad, codes)[:, :ED]

    vq_loss = 0.25 * loss[0, 0] / (n * ED)
    return (zst.reshape(z.shape), vq_loss, codes.reshape(z.shape[:-1]))

# --- scband reference (transcript-rebuilt; emitter-appended) ---
"""Pipeline reference for scband-vector-quantizer-1219770712646 (READ-ONLY COPY).

The authoritative reference and input builder live on the scoring server;
editing this copy changes nothing except your own understanding.
"""

import jax, jax.numpy as jnp
import numpy as np

NUM_EMBEDDINGS = 8192
EMBEDDING_DIM = 32
COMMITMENT_COST = 0.25


def setup_inputs(seed: int = 0) -> dict:
    key = jax.random.key(seed)
    k1, k2 = jax.random.split(key)
    z = jax.random.normal(k1, (32, 1024, EMBEDDING_DIM), dtype=jnp.float32)
    # xavier_uniform init for the codebook
    limit = float(np.sqrt(6.0 / (NUM_EMBEDDINGS + EMBEDDING_DIM)))
    W = jax.random.uniform(k2, (NUM_EMBEDDINGS, EMBEDDING_DIM), dtype=jnp.float32, minval=-limit, maxval=limit)
    return {"z": z, "W": W}


def reference(z, W):
    # eval-mode forward of VectorQuantizer (no EMA buffer updates)
    z_flat = z.reshape(-1, EMBEDDING_DIM)
    dist = (
        jnp.sum(z_flat ** 2, axis=1, keepdims=True)
        + jnp.sum(W ** 2, axis=1)
        - 2.0 * (z_flat @ W.T)
    )
    codes = jnp.argmin(dist, axis=1)
    z_q = jnp.take(W, codes, axis=0).reshape(z.shape)
    vq_loss = COMMITMENT_COST * jnp.mean((jax.lax.stop_gradient(z_q) - z) ** 2)
    z_st = z + jax.lax.stop_gradient(z_q - z)
    return (z_st, vq_loss, codes.reshape(z.shape[:-1]))

if __name__ == "__main__":
    import jax
    _d = setup_inputs()
    print(jax.jit(kernel)(*tuple(_d.values())))

</pallas_src>

<mosaic_0001>
#map = affine_map<(d0, d1) -> (0, 0)>
#map1 = affine_map<(d0, d1) -> (0)>
module attributes {stable_mosaic.version = 14 : i64} {
  func.func @_sc_gather(%arg0: i32, %arg1: i32, %arg2: memref<8192x128xf32, #tpu.memory_space<hbm>>, %arg3: memref<32768xi32, #tpu.memory_space<hbm>>, %arg4: memref<32768x128xf32, #tpu.memory_space<hbm>>, %arg5: memref<512xi32, #tpu.memory_space<vmem>>, %arg6: memref<512x128xf32, #tpu.memory_space<vmem>>, %arg7: memref<!tpu.dma_semaphore, #tpu.memory_space<semaphore_mem>>) attributes {dimension_semantics = [#tpu.dimension_semantics<core_parallel>, #tpu.dimension_semantics<subcore_parallel>], iteration_bounds = array<i64: 2, 16>, scalar_prefetch = 0 : i64, scratch_operands = 3 : i64, tpu.core_type = #tpu.core_type<sc_vector_subcore>, window_params = [{transform_indices = #map}, {transform_indices = #map1}, {transform_indices = #map}]} {
    %mul3A = arith.constant 2 : i32
    %mul3A_0 = arith.muli %arg1, %mul3A : i32
    %add3A = arith.addi %mul3A_0, %arg0 : i32
    %mul3A_1 = arith.constant 1024 : i32
    %mul3A_2 = arith.muli %add3A, %mul3A_1 : i32
    %add3A_3 = arith.constant 0 : i32
    %add3A_4 = arith.addi %mul3A_2, %add3A_3 : i32
    "tpu.region"() ({
      %run_scoped3A = tpu.sem_alloc : memref<!tpu.dma_semaphore, #tpu.memory_space<semaphore_mem>>
      %dma_start3A_17 = tpu.memref_slice %arg3[%add3A_4] : memref<32768xi32, #tpu.memory_space<hbm>> -> memref<512xi32, #tpu.memory_space<hbm>>
      %dma_start3A_18 = tpu.memref_slice %arg3[%add3A_4] : memref<32768xi32, #tpu.memory_space<hbm>> -> memref<512xi32, #tpu.memory_space<hbm>>
      tpu.enqueue_dma source(%dma_start3A_18 : memref<512xi32, #tpu.memory_space<hbm>>) target(%arg5 : memref<512xi32, #tpu.memory_space<vmem>>) target_semaphore(%run_scoped3A : memref<!tpu.dma_semaphore, #tpu.memory_space<semaphore_mem>>)
      %dma_wait3A_19 = tpu.memref_slice %arg3[%add3A_4] : memref<32768xi32, #tpu.memory_space<hbm>> -> memref<512xi32, #tpu.memory_space<hbm>>
      %dma_wait3A_20 = tpu.memref_slice %arg3[%add3A_4] : memref<32768xi32, #tpu.memory_space<hbm>> -> memref<512xi32, #tpu.memory_space<hbm>>
      tpu.wait_dma2 semaphore(%run_scoped3A : memref<!tpu.dma_semaphore, #tpu.memory_space<semaphore_mem>>) src(%dma_wait3A_20 : memref<512xi32, #tpu.memory_space<hbm>>) dst(%arg5 : memref<512xi32, #tpu.memory_space<vmem>>)
      tpu.yield
    }) : () -> ()
    %dma_start3A = arith.constant 0 : i32
    %dma_start3A_5 = arith.constant 0 : i32
    %dma_start3A_6 = tpu.memref_slice %arg2[%dma_start3A, %dma_start3A_5] : memref<8192x128xf32, #tpu.memory_space<hbm>> -> memref<8192x128xf32, #tpu.memory_space<hbm>>
    tpu.enqueue_indirect_dma source(%dma_start3A_6 : memref<8192x128xf32, #tpu.memory_space<hbm>>) target(%arg6 : memref<512x128xf32, #tpu.memory_space<vmem>>) offsets(%arg5 : memref<512xi32, #tpu.memory_space<vmem>>) semaphore(%arg7 : memref<!tpu.dma_semaphore, #tpu.memory_space<semaphore_mem>>)
    %dma_wait3A = arith.constant 0 : i32
    %dma_wait3A_7 = arith.constant 0 : i32
    %dma_wait3A_8 = tpu.memref_slice %arg2[%dma_wait3A, %dma_wait3A_7] : memref<8192x128xf32, #tpu.memory_space<hbm>> -> memref<8192x128xf32, #tpu.memory_space<hbm>>
    tpu.wait_indirect_dma semaphore(%arg7 : memref<!tpu.dma_semaphore, #tpu.memory_space<semaphore_mem>>) src(%dma_wait3A_8 : memref<8192x128xf32, #tpu.memory_space<hbm>>) dst(%arg6 : memref<512x128xf32, #tpu.memory_space<vmem>>)
    "tpu.region"() ({
      %run_scoped3A = tpu.sem_alloc : memref<!tpu.dma_semaphore, #tpu.memory_space<semaphore_mem>>
      %dma_start3A_17 = arith.constant 0 : i32
      %dma_start3A_18 = tpu.memref_slice %arg4[%add3A_4, %dma_start3A_17] : memref<32768x128xf32, #tpu.memory_space<hbm>> -> memref<512x128xf32, #tpu.memory_space<hbm>>
      %dma_start3A_19 = arith.constant 0 : i32
      %dma_start3A_20 = tpu.memref_slice %arg4[%add3A_4, %dma_start3A_19] : memref<32768x128xf32, #tpu.memory_space<hbm>> -> memref<512x128xf32, #tpu.memory_space<hbm>>
      tpu.enqueue_dma source(%arg6 : memref<512x128xf32, #tpu.memory_space<vmem>>) target(%dma_start3A_20 : memref<512x128xf32, #tpu.memory_space<hbm>>) target_semaphore(%run_scoped3A : memref<!tpu.dma_semaphore, #tpu.memory_space<semaphore_mem>>)
      %dma_wait3A_21 = arith.constant 0 : i32
      %dma_wait3A_22 = tpu.memref_slice %arg4[%add3A_4, %dma_wait3A_21] : memref<32768x128xf32, #tpu.memory_space<hbm>> -> memref<512x128xf32, #tpu.memory_space<hbm>>
      %dma_wait3A_23 = arith.constant 0 : i32
      %dma_wait3A_24 = tpu.memref_slice %arg4[%add3A_4, %dma_wait3A_23] : memref<32768x128xf32, #tpu.memory_space<hbm>> -> memref<512x128xf32, #tpu.memory_space<hbm>>
      tpu.wait_dma2 semaphore(%run_scoped3A : memref<!tpu.dma_semaphore, #tpu.memory_space<semaphore_mem>>) src(%arg6 : memref<512x128xf32, #tpu.memory_space<vmem>>) dst(%dma_wait3A_24 : memref<512x128xf32, #tpu.memory_space<hbm>>)
      tpu.yield
    }) : () -> ()
    %add3A_9 = arith.constant 512 : i32
    %add3A_10 = arith.addi %mul3A_2, %add3A_9 : i32
    "tpu.region"() ({
      %run_scoped3A = tpu.sem_alloc : memref<!tpu.dma_semaphore, #tpu.memory_space<semaphore_mem>>
      %dma_start3A_17 = tpu.memref_slice %arg3[%add3A_10] : memref<32768xi32, #tpu.memory_space<hbm>> -> memref<512xi32, #tpu.memory_space<hbm>>
      %dma_start3A_18 = tpu.memref_slice %arg3[%add3A_10] : memref<32768xi32, #tpu.memory_space<hbm>> -> memref<512xi32, #tpu.memory_space<hbm>>
      tpu.enqueue_dma source(%dma_start3A_18 : memref<512xi32, #tpu.memory_space<hbm>>) target(%arg5 : memref<512xi32, #tpu.memory_space<vmem>>) target_semaphore(%run_scoped3A : memref<!tpu.dma_semaphore, #tpu.memory_space<semaphore_mem>>)
      %dma_wait3A_19 = tpu.memref_slice %arg3[%add3A_10] : memref<32768xi32, #tpu.memory_space<hbm>> -> memref<512xi32, #tpu.memory_space<hbm>>
      %dma_wait3A_20 = tpu.memref_slice %arg3[%add3A_10] : memref<32768xi32, #tpu.memory_space<hbm>> -> memref<512xi32, #tpu.memory_space<hbm>>
      tpu.wait_dma2 semaphore(%run_scoped3A : memref<!tpu.dma_semaphore, #tpu.memory_space<semaphore_mem>>) src(%dma_wait3A_20 : memref<512xi32, #tpu.memory_space<hbm>>) dst(%arg5 : memref<512xi32, #tpu.memory_space<vmem>>)
      tpu.yield
    }) : () -> ()
    %dma_start3A_11 = arith.constant 0 : i32
    %dma_start3A_12 = arith.constant 0 : i32
    %dma_start3A_13 = tpu.memref_slice %arg2[%dma_start3A_11, %dma_start3A_12] : memref<8192x128xf32, #tpu.memory_space<hbm>> -> memref<8192x128xf32, #tpu.memory_space<hbm>>
    tpu.enqueue_indirect_dma source(%dma_start3A_13 : memref<8192x128xf32, #tpu.memory_space<hbm>>) target(%arg6 : memref<512x128xf32, #tpu.memory_space<vmem>>) offsets(%arg5 : memref<512xi32, #tpu.memory_space<vmem>>) semaphore(%arg7 : memref<!tpu.dma_semaphore, #tpu.memory_space<semaphore_mem>>)
    %dma_wait3A_14 = arith.constant 0 : i32
    %dma_wait3A_15 = arith.constant 0 : i32
    %dma_wait3A_16 = tpu.memref_slice %arg2[%dma_wait3A_14, %dma_wait3A_15] : memref<8192x128xf32, #tpu.memory_space<hbm>> -> memref<8192x128xf32, #tpu.memory_space<hbm>>
    tpu.wait_indirect_dma semaphore(%arg7 : memref<!tpu.dma_semaphore, #tpu.memory_space<semaphore_mem>>) src(%dma_wait3A_16 : memref<8192x128xf32, #tpu.memory_space<hbm>>) dst(%arg6 : memref<512x128xf32, #tpu.memory_space<vmem>>)
    "tpu.region"() ({
      %run_scoped3A = tpu.sem_alloc : memref<!tpu.dma_semaphore, #tpu.memory_space<semaphore_mem>>
      %dma_start3A_17 = arith.constant 0 : i32
      %dma_start3A_18 = tpu.memref_slice %arg4[%add3A_10, %dma_start3A_17] : memref<32768x128xf32, #tpu.memory_space<hbm>> -> memref<512x128xf32, #tpu.memory_space<hbm>>
      %dma_start3A_19 = arith.constant 0 : i32
      %dma_start3A_20 = tpu.memref_slice %arg4[%add3A_10, %dma_start3A_19] : memref<32768x128xf32, #tpu.memory_space<hbm>> -> memref<512x128xf32, #tpu.memory_space<hbm>>
      tpu.enqueue_dma source(%arg6 : memref<512x128xf32, #tpu.memory_space<vmem>>) target(%dma_start3A_20 : memref<512x128xf32, #tpu.memory_space<hbm>>) target_semaphore(%run_scoped3A : memref<!tpu.dma_semaphore, #tpu.memory_space<semaphore_mem>>)
      %dma_wait3A_21 = arith.constant 0 : i32
      %dma_wait3A_22 = tpu.memref_slice %arg4[%add3A_10, %dma_wait3A_21] : memref<32768x128xf32, #tpu.memory_space<hbm>> -> memref<512x128xf32, #tpu.memory_space<hbm>>
      %dma_wait3A_23 = arith.constant 0 : i32
      %dma_wait3A_24 = tpu.memref_slice %arg4[%add3A_10, %dma_wait3A_23] : memref<32768x128xf32, #tpu.memory_space<hbm>> -> memref<512x128xf32, #tpu.memory_space<hbm>>
      tpu.wait_dma2 semaphore(%run_scoped3A : memref<!tpu.dma_semaphore, #tpu.memory_space<semaphore_mem>>) src(%arg6 : memref<512x128xf32, #tpu.memory_space<vmem>>) dst(%dma_wait3A_24 : memref<512x128xf32, #tpu.memory_space<hbm>>)
      tpu.yield
    }) : () -> ()
    return
  }
}

module attributes {stable_mosaic.version = 14 : i64} {
  func.func @_vq_block(%arg0: i32, %arg1: memref<512x32xf32, #tpu.memory_space<vmem>>, %arg2: memref<8192x32xf32, #tpu.memory_space<vmem>>, %arg3: memref<512x1xf32, #tpu.memory_space<vmem>>, %arg4: memref<1x8192xf32, #tpu.memory_space<vmem>>, %arg5: memref<1x1x512xi32, #tpu.memory_space<vmem>>, %arg6: memref<1x1xf32, #tpu.memory_space<smem>>) attributes {dimension_semantics = [#tpu.dimension_semantics<arbitrary>], iteration_bounds = array<i64: 64>, scalar_prefetch = 0 : i64, scratch_operands = 0 : i64, tpu.core_type = #tpu.core_type<tc>, window_params = [{transform_indices = @transform_0, window_bounds = array<i64: 512, 32>}, {pipeline_mode = #tpu.pipeline_mode<synchronous>, transform_indices = @transform_1, window_bounds = array<i64: 8192, 32>}, {transform_indices = @transform_2, window_bounds = array<i64: 512, 1>}, {pipeline_mode = #tpu.pipeline_mode<synchronous>, transform_indices = @transform_3, window_bounds = array<i64: 1, 8192>}, {transform_indices = @transform_4, window_bounds = array<i64: 1, 1, 512>}, {transform_indices = @transform_5, window_bounds = array<i64: 1, 1>}]} {
    %get3A = arith.constant 0 : index
    %get3A_0 = arith.constant 0 : index
    %get3A_1 = vector.load %arg1[%get3A, %get3A_0] : memref<512x32xf32, #tpu.memory_space<vmem>>, vector<512x32xf32>
    %get3A_2 = arith.constant 0 : index
    %get3A_3 = arith.constant 0 : index
    %get3A_4 = vector.load %arg1[%get3A_2, %get3A_3] : memref<512x32xf32, #tpu.memory_space<vmem>>, vector<512x32xf32>
    %add3A = arith.addf %get3A_1, %get3A_4 : vector<512x32xf32>
    %get3A_5 = arith.constant 0 : index
    %get3A_6 = arith.constant 0 : index
    %get3A_7 = vector.load %arg2[%get3A_5, %get3A_6] : memref<8192x32xf32, #tpu.memory_space<vmem>>, vector<8192x32xf32>
    %dot_general3A = arith.constant dense<0.000000e+00> : vector<512x8192xf32>
    %dot_general3A_8 = tpu.matmul %add3A, %get3A_7, %dot_general3A {dimension_numbers = #tpu.dot_dimension_numbers<[1], [1], [0], [0], [0, 0, 1, 0], [], []>, transpose_lhs_hint = false} : vector<512x32xf32>, vector<8192x32xf32>, vector<512x8192xf32> -> vector<512x8192xf32>
    %get3A_9 = arith.constant 0 : index
    %get3A_10 = arith.constant 0 : index
    %get3A_11 = vector.load %arg3[%get3A_9, %get3A_10] : memref<512x1xf32, #tpu.memory_space<vmem>>, vector<512x1xf32>
    %slice3A = vector.extract_strided_slice %dot_general3A_8 {offsets = [0, 0], sizes = [512, 128], strides = [1, 1]} : vector<512x8192xf32> to vector<512x128xf32>
    %get3A_12 = arith.constant 0 : index
    %get3A_13 = arith.constant 0 : index
    %get3A_14 = vector.load %arg4[%get3A_12, %get3A_13] : memref<1x8192xf32, #tpu.memory_space<vmem>>, vector<1x128xf32>
    %add3A_15 = vector.broadcast %get3A_11 : vector<512x1xf32> to vector<512x128xf32>
    %add3A_16 = vector.broadcast %get3A_14 : vector<1x128xf32> to vector<512x128xf32>
    %add3A_17 = arith.addf %add3A_15, %add3A_16 : vector<512x128xf32>
    %sub3A = arith.subf %add3A_17, %slice3A : vector<512x128xf32>
    %broadcast_in_dim3A = arith.constant 0 : i32
    %broadcast_in_dim3A_18 = vector.broadcast %broadcast_in_dim3A : i32 to vector<512x128xi32>
    %slice3A_19 = vector.extract_strided_slice %dot_general3A_8 {offsets = [0, 128], sizes = [512, 128], strides = [1, 1]} : vector<512x8192xf32> to vector<512x128xf32>
    %get3A_20 = arith.constant 0 : index
    %get3A_21 = arith.constant 128 : index
    %get3A_22 = vector.load %arg4[%get3A_20, %get3A_21] : memref<1x8192xf32, #tpu.memory_space<vmem>>, vector<1x128xf32>
    %add3A_23 = vector.broadcast %get3A_11 : vector<512x1xf32> to vector<512x128xf32>
    %add3A_24 = vector.broadcast %get3A_22 : vector<1x128xf32> to vector<512x128xf32>
    %add3A_25 = arith.addf %add3A_23, %add3A_24 : vector<512x128xf32>
    %sub3A_26 = arith.subf %add3A_25, %slice3A_19 : vector<512x128xf32>
    %lt3A = arith.cmpf olt, %sub3A_26, %sub3A : vector<512x128xf32>
    %select_n3A = arith.select %lt3A, %sub3A_26, %sub3A : vector<512x128xi1>, vector<512x128xf32>
    %jit3A = arith.constant 1 : i32
    %broadcast_in_dim3A_27 = vector.broadcast %jit3A : i32 to vector<512x128xi32>
    %select_n3A_28 = arith.select %lt3A, %broadcast_in_dim3A_27, %broadcast_in_dim3A_18 : vector<512x128xi1>, vector<512x128xi32>
    %slice3A_29 = vector.extract_strided_slice %dot_general3A_8 {offsets = [0, 256], sizes = [512, 128], strides = [1, 1]} : vector<512x8192xf32> to vector<512x128xf32>
    %get3A_30 = arith.constant 0 : index
    %get3A_31 = arith.constant 256 : index
    %get3A_32 = vector.load %arg4[%get3A_30, %get3A_31] : memref<1x8192xf32, #tpu.memory_space<vmem>>, vector<1x128xf32>
    %add3A_33 = vector.broadcast %get3A_11 : vector<512x1xf32> to vector<512x128xf32>
    %add3A_34 = vector.broadcast %get3A_32 : vector<1x128xf32> to vector<512x128xf32>
    %add3A_35 = arith.addf %add3A_33, %add3A_34 : vector<512x128xf32>
    %sub3A_36 = arith.subf %add3A_35, %slice3A_29 : vector<512x128xf32>
    %lt3A_37 = arith.cmpf olt, %sub3A_36, %select_n3A : vector<512x128xf32>
    %select_n3A_38 = arith.select %lt3A_37, %sub3A_36, %select_n3A : vector<512x128xi1>, vector<512x128xf32>
    %jit3A_39 = arith.constant 2 : i32
    %broadcast_in_dim3A_40 = vector.broadcast %jit3A_39 : i32 to vector<512x128xi32>
    %select_n3A_41 = arith.select %lt3A_37, %broadcast_in_dim3A_40, %select_n3A_28 : vector<512x128xi1>, vector<512x128xi32>
    %slice3A_42 = vector.extract_strided_slice %dot_general3A_8 {offsets = [0, 384], sizes = [512, 128], strides = [1, 1]} : vector<512x8192xf32> to vector<512x128xf32>
    %get3A_43 = arith.constant 0 : index
    %get3A_44 = arith.constant 384 : index
    %get3A_45 = vector.load %arg4[%get3A_43, %get3A_44] : memref<1x8192xf32, #tpu.memory_space<vmem>>, vector<1x128xf32>
    %add3A_46 = vector.broadcast %get3A_11 : vector<512x1xf32> to vector<512x128xf32>
    %add3A_47 = vector.broadcast %get3A_45 : vector<1x128xf32> to vector<512x128xf32>
    %add3A_48 = arith.addf %add3A_46, %add3A_47 : vector<512x128xf32>
    %sub3A_49 = arith.subf %add3A_48, %slice3A_42 : vector<512x128xf32>
    %lt3A_50 = arith.cmpf olt, %sub3A_49, %select_n3A_38 : vector<512x128xf32>
    %select_n3A_51 = arith.select %lt3A_50, %sub3A_49, %select_n3A_38 : vector<512x128xi1>, vector<512x128xf32>
    %jit3A_52 = arith.constant 3 : i32
    %broadcast_in_dim3A_53 = vector.broadcast %jit3A_52 : i32 to vector<512x128xi32>
    %select_n3A_54 = arith.select %lt3A_50, %broadcast_in_dim3A_53, %select_n3A_41 : vector<512x128xi1>, vector<512x128xi32>
    %slice3A_55 = vector.extract_strided_slice %dot_general3A_8 {offsets = [0, 512], sizes = [512, 128], strides = [1, 1]} : vector<512x8192xf32> to vector<512x128xf32>
    %get3A_56 = arith.constant 0 : index
    %get3A_57 = arith.constant 512 : index
    %get3A_58 = vector.load %arg4[%get3A_56, %get3A_57] : memref<1x8192xf32, #tpu.memory_space<vmem>>, vector<1x128xf32>
    %add3A_59 = vector.broadcast %get3A_11 : vector<512x1xf32> to vector<512x128xf32>
    %add3A_60 = vector.broadcast %get3A_58 : vector<1x128xf32> to vector<512x128xf32>
    %add3A_61 = arith.addf %add3A_59, %add3A_60 : vector<512x128xf32>
    %sub3A_62 = arith.subf %add3A_61, %slice3A_55 : vector<512x128xf32>
    %lt3A_63 = arith.cmpf olt, %sub3A_62, %select_n3A_51 : vector<512x128xf32>
    %select_n3A_64 = arith.select %lt3A_63, %sub3A_62, %select_n3A_51 : vector<512x128xi1>, vector<512x128xf32>
    %jit3A_65 = arith.constant 4 : i32
    %broadcast_in_dim3A_66 = vector.broadcast %jit3A_65 : i32 to vector<512x128xi32>
    %select_n3A_67 = arith.select %lt3A_63, %broadcast_in_dim3A_66, %select_n3A_54 : vector<512x128xi1>, vector<512x128xi32>
    %slice3A_68 = vector.extract_strided_slice %dot_general3A_8 {offsets = [0, 640], sizes = [512, 128], strides = [1, 1]} : vector<512x8192xf32> to vector<512x128xf32>
    %get3A_69 = arith.constant 0 : index
    %get3A_70 = arith.constant 640 : index
    %get3A_71 = vector.load %arg4[%get3A_69, %get3A_70] : memref<1x8192xf32, #tpu.memory_space<vmem>>, vector<1x128xf32>
    %add3A_72 = vector.broadcast %get3A_11 : vector<512x1xf32> to vector<512x128xf32>
    %add3A_73 = vector.broadcast %get3A_71 : vector<1x128xf32> to vector<512x128xf32>
    %add3A_74 = arith.addf %add3A_72, %add3A_73 : vector<512x128xf32>
    %sub3A_75 = arith.subf %add3A_74, %slice3A_68 : vector<512x128xf32>
    %lt3A_76 = arith.cmpf olt, %sub3A_75, %select_n3A_64 : vector<512x128xf32>
    %select_n3A_77 = arith.select %lt3A_76, %sub3A_75, %select_n3A_64 : vector<512x128xi1>, vector<512x128xf32>
    %jit3A_78 = arith.constant 5 : i32
    %broadcast_in_dim3A_79 = vector.broadcast %jit3A_78 : i32 to vector<512x128xi32>
    %select_n3A_80 = arith.select %lt3A_76, %broadcast_in_dim3A_79, %select_n3A_67 : vector<512x128xi1>, vector<512x128xi32>
    %slice3A_81 = vector.extract_strided_slice %dot_general3A_8 {offsets = [0, 768], sizes = [512, 128], strides = [1, 1]} : vector<512x8192xf32> to vector<512x128xf32>
    %get3A_82 = arith.constant 0 : index
    %get3A_83 = arith.constant 768 : index
    %get3A_84 = vector.load %arg4[%get3A_82, %get3A_83] : memref<1x8192xf32, #tpu.memory_space<vmem>>, vector<1x128xf32>
    %add3A_85 = vector.broadcast %get3A_11 : vector<512x1xf32> to vector<512x128xf32>
    %add3A_86 = vector.broadcast %get3A_84 : vector<1x128xf32> to vector<512x128xf32>
    %add3A_87 = arith.addf %add3A_85, %add3A_86 : vector<512x128xf32>
    %sub3A_88 = arith.subf %add3A_87, %slice3A_81 : vector<512x128xf32>
    %lt3A_89 = arith.cmpf olt, %sub3A_88, %select_n3A_77 : vector<512x128xf32>
    %select_n3A_90 = arith.select %lt3A_89, %sub3A_88, %select_n3A_77 : vector<512x128xi1>, vector<512x128xf32>
    %jit3A_91 = arith.constant 6 : i32
    %broadcast_in_dim3A_92 = vector.broadcast %jit3A_91 : i32 to vector<512x128xi32>
    %select_n3A_93 = arith.select %lt3A_89, %broadcast_in_dim3A_92, %select_n3A_80 : vector<512x128xi1>, vector<512x128xi32>
    %slice3A_94 = vector.extract_strided_slice %dot_general3A_8 {offsets = [0, 896], sizes = [512, 128], strides = [1, 1]} : vector<512x8192xf32> to vector<512x128xf32>
    %get3A_95 = arith.constant 0 : index
    %get3A_96 = arith.constant 896 : index
    %get3A_97 = vector.load %arg4[%get3A_95, %get3A_96] : memref<1x8192xf32, #tpu.memory_space<vmem>>, vector<1x128xf32>
    %add3A_98 = vector.broadcast %get3A_11 : vector<512x1xf32> to vector<512x128xf32>
    %add3A_99 = vector.broadcast %get3A_97 : vector<1x128xf32> to vector<512x128xf32>
    %add3A_100 = arith.addf %add3A_98, %add3A_99 : vector<512x128xf32>
    %sub3A_101 = arith.subf %add3A_100, %slice3A_94 : vector<512x128xf32>
    %lt3A_102 = arith.cmpf olt, %sub3A_101, %select_n3A_90 : vector<512x128xf32>
    %select_n3A_103 = arith.select %lt3A_102, %sub3A_101, %select_n3A_90 : vector<512x128xi1>, vector<512x128xf32>
    %jit3A_104 = arith.constant 7 : i32
    %broadcast_in_dim3A_105 = vector.broadcast %jit3A_104 : i32 to vector<512x128xi32>
    %select_n3A_106 = arith.select %lt3A_102, %broadcast_in_dim3A_105, %select_n3A_93 : vector<512x128xi1>, vector<512x128xi32>
    %slice3A_107 = vector.extract_strided_slice %dot_general3A_8 {offsets = [0, 1024], sizes = [512, 128], strides = [1, 1]} : vector<512x8192xf32> to vector<512x128xf32>
    %get3A_108 = arith.constant 0 : index
    %get3A_109 = arith.constant 1024 : index
    %get3A_110 = vector.load %arg4[%get3A_108, %get3A_109] : memref<1x8192xf32, #tpu.memory_space<vmem>>, vector<1x128xf32>
    %add3A_111 = vector.broadcast %get3A_11 : vector<512x1xf32> to vector<512x128xf32>
    %add3A_112 = vector.broadcast %get3A_110 : vector<1x128xf32> to vector<512x128xf32>
    %add3A_113 = arith.addf %add3A_111, %add3A_112 : vector<512x128xf32>
    %sub3A_114 = arith.subf %add3A_113, %slice3A_107 : vector<512x128xf32>
    %lt3A_115 = arith.cmpf olt, %sub3A_114, %select_n3A_103 : vector<512x128xf32>
    %select_n3A_116 = arith.select %lt3A_115, %sub3A_114, %select_n3A_103 : vector<512x128xi1>, vector<512x128xf32>
    %jit3A_117 = arith.constant 8 : i32
    %broadcast_in_dim3A_118 = vector.broadcast %jit3A_117 : i32 to vector<512x128xi32>
    %select_n3A_119 = arith.select %lt3A_115, %broadcast_in_dim3A_118, %select_n3A_106 : vector<512x128xi1>, vector<512x128xi32>
    %slice3A_120 = vector.extract_strided_slice %dot_general3A_8 {offsets = [0, 1152], sizes = [512, 128], strides = [1, 1]} : vector<512x8192xf32> to vector<512x128xf32>
    %get3A_121 = arith.constant 0 : index
    %get3A_122 = arith.constant 1152 : index
    %get3A_123 = vector.load %arg4[%get3A_121, %get3A_122] : memref<1x8192xf32, #tpu.memory_space<vmem>>, vector<1x128xf32>
    %add3A_124 = vector.broadcast %get3A_11 : vector<512x1xf32> to vector<512x128xf32>
    %add3A_125 = vector.broadcast %get3A_123 : vector<1x128xf32> to vector<512x128xf32>
    %add3A_126 = arith.addf %add3A_124, %add3A_125 : vector<512x128xf32>
    %sub3A_127 = arith.subf %add3A_126, %slice3A_120 : vector<512x128xf32>
    %lt3A_128 = arith.cmpf olt, %sub3A_127, %select_n3A_116 : vector<512x128xf32>
    %select_n3A_129 = arith.select %lt3A_128, %sub3A_127, %select_n3A_116 : vector<512x128xi1>, vector<512x128xf32>
    %jit3A_130 = arith.constant 9 : i32
    %broadcast_in_dim3A_131 = vector.broadcast %jit3A_130 : i32 to vector<512x128xi32>
    %select_n3A_132 = arith.select %lt3A_128, %broadcast_in_dim3A_131, %select_n3A_119 : vector<512x128xi1>, vector<512x128xi32>
    %slice3A_133 = vector.extract_strided_slice %dot_general3A_8 {offsets = [0, 1280], sizes = [512, 128], strides = [1, 1]} : vector<512x8192xf32> to vector<512x128xf32>
    %get3A_134 = arith.constant 0 : index
    %get3A_135 = arith.constant 1280 : index
    %get3A_136 = vector.load %arg4[%get3A_134, %get3A_135] : memref<1x8192xf32, #tpu.memory_space<vmem>>, vector<1x128xf32>
    %add3A_137 = vector.broadcast %get3A_11 : vector<512x1xf32> to vector<512x128xf32>
    %add3A_138 = vector.broadcast %get3A_136 : vector<1x128xf32> to vector<512x128xf32>
    %add3A_139 = arith.addf %add3A_137, %add3A_138 : vector<512x128xf32>
    %sub3A_140 = arith.subf %add3A_139, %slice3A_133 : vector<512x128xf32>
    %lt3A_141 = arith.cmpf olt, %sub3A_140, %select_n3A_129 : vector<512x128xf32>
    %select_n3A_142 = arith.select %lt3A_141, %sub3A_140, %select_n3A_129 : vector<512x128xi1>, vector<512x128xf32>
    %jit3A_143 = arith.constant 10 : i32
    %broadcast_in_dim3A_144 = vector.broadcast %jit3A_143 : i32 to vector<512x128xi32>
    %select_n3A_145 = arith.select %lt3A_141, %broadcast_in_dim3A_144, %select_n3A_132 : vector<512x128xi1>, vector<512x128xi32>
    %slice3A_146 = vector.extract_strided_slice %dot_general3A_8 {offsets = [0, 1408], sizes = [512, 128], strides = [1, 1]} : vector<512x8192xf32> to vector<512x128xf32>
    %get3A_147 = arith.constant 0 : index
    %get3A_148 = arith.constant 1408 : index
    %get3A_149 = vector.load %arg4[%get3A_147, %get3A_148] : memref<1x8192xf32, #tpu.memory_space<vmem>>, vector<1x128xf32>
    %add3A_150 = vector.broadcast %get3A_11 : vector<512x1xf32> to vector<512x128xf32>
    %add3A_151 = vector.broadcast %get3A_149 : vector<1x128xf32> to vector<512x128xf32>
    %add3A_152 = arith.addf %add3A_150, %add3A_151 : vector<512x128xf32>
    %sub3A_153 = arith.subf %add3A_152, %slice3A_146 : vector<512x128xf32>
    %lt3A_154 = arith.cmpf olt, %sub3A_153, %select_n3A_142 : vector<512x128xf32>
    %select_n3A_155 = arith.select %lt3A_154, %sub3A_153, %select_n3A_142 : vector<512x128xi1>, vector<512x128xf32>
    %jit3A_156 = arith.constant 11 : i32
    %broadcast_in_dim3A_157 = vector.broadcast %jit3A_156 : i32 to vector<512x128xi32>
    %select_n3A_158 = arith.select %lt3A_154, %broadcast_in_dim3A_157, %select_n3A_145 : vector<512x128xi1>, vector<512x128xi32>
    %slice3A_159 = vector.extract_strided_slice %dot_general3A_8 {offsets = [0, 1536], sizes = [512, 128], strides = [1, 1]} : vector<512x8192xf32> to vector<512x128xf32>
    %get3A_160 = arith.constant 0 : index
    %get3A_161 = arith.constant 1536 : index
    %get3A_162 = vector.load %arg4[%get3A_160, %get3A_161] : memref<1x8192xf32, #tpu.memory_space<vmem>>, vector<1x128xf32>
    %add3A_163 = vector.broadcast %get3A_11 : vector<512x1xf32> to vector<512x128xf32>
    %add3A_164 = vector.broadcast %get3A_162 : vector<1x128xf32> to vector<512x128xf32>
    %add3A_165 = arith.addf %add3A_163, %add3A_164 : vector<512x128xf32>
    %sub3A_166 = arith.subf %add3A_165, %slice3A_159 : vector<512x128xf32>
    %lt3A_167 = arith.cmpf olt, %sub3A_166, %select_n3A_155 : vector<512x128xf32>
    %select_n3A_168 = arith.select %lt3A_167, %sub3A_166, %select_n3A_155 : vector<512x128xi1>, vector<512x128xf32>
    %jit3A_169 = arith.constant 12 : i32
    %broadcast_in_dim3A_170 = vector.broadcast %jit3A_169 : i32 to vector<512x128xi32>
    %select_n3A_171 = arith.select %lt3A_167, %broadcast_in_dim3A_170, %select_n3A_158 : vector<512x128xi1>, vector<512x128xi32>
    %slice3A_172 = vector.extract_strided_slice %dot_general3A_8 {offsets = [0, 1664], sizes = [512, 128], strides = [1, 1]} : vector<512x8192xf32> to vector<512x128xf32>
    %get3A_173 = arith.constant 0 : index
    %get3A_174 = arith.constant 1664 : index
    %get3A_175 = vector.load %arg4[%get3A_173, %get3A_174] : memref<1x8192xf32, #tpu.memory_space<vmem>>, vector<1x128xf32>
    %add3A_176 = vector.broadcast %get3A_11 : vector<512x1xf32> to vector<512x128xf32>
    %add3A_177 = vector.broadcast %get3A_175 : vector<1x128xf32> to vector<512x128xf32>
    %add3A_178 = arith.addf %add3A_176, %add3A_177 : vector<512x128xf32>
    %sub3A_179 = arith.subf %add3A_178, %slice3A_172 : vector<512x128xf32>
    %lt3A_180 = arith.cmpf olt, %sub3A_179, %select_n3A_168 : vector<512x128xf32>
    %select_n3A_181 = arith.select %lt3A_180, %sub3A_179, %select_n3A_168 : vector<512x128xi1>, vector<512x128xf32>
    %jit3A_182 = arith.constant 13 : i32
    %broadcast_in_dim3A_183 = vector.broadcast %jit3A_182 : i32 to vector<512x128xi32>
    %select_n3A_184 = arith.select %lt3A_180, %broadcast_in_dim3A_183, %select_n3A_171 : vector<512x128xi1>, vector<512x128xi32>
    %slice3A_185 = vector.extract_strided_slice %dot_general3A_8 {offsets = [0, 1792], sizes = [512, 128], strides = [1, 1]} : vector<512x8192xf32> to vector<512x128xf32>
    %get3A_186 = arith.constant 0 : index
    %get3A_187 = arith.constant 1792 : index
    %get3A_188 = vector.load %arg4[%get3A_186, %get3A_187] : memref<1x8192xf32, #tpu.memory_space<vmem>>, vector<1x128xf32>
    %add3A_189 = vector.broadcast %get3A_11 : vector<512x1xf32> to vector<512x128xf32>
    %add3A_190 = vector.broadcast %get3A_188 : vector<1x128xf32> to vector<512x128xf32>
    %add3A_191 = arith.addf %add3A_189, %add3A_190 : vector<512x128xf32>
    %sub3A_192 = arith.subf %add3A_191, %slice3A_185 : vector<512x128xf32>
    %lt3A_193 = arith.cmpf olt, %sub3A_192, %select_n3A_181 : vector<512x128xf32>
    %select_n3A_194 = arith.select %lt3A_193, %sub3A_192, %select_n3A_181 : vector<512x128xi1>, vector<512x128xf32>
    %jit3A_195 = arith.constant 14 : i32
    %broadcast_in_dim3A_196 = vector.broadcast %jit3A_195 : i32 to vector<512x128xi32>
    %select_n3A_197 = arith.select %lt3A_193, %broadcast_in_dim3A_196, %select_n3A_184 : vector<512x128xi1>, vector<512x128xi32>
    %slice3A_198 = vector.extract_strided_slice %dot_general3A_8 {offsets = [0, 1920], sizes = [512, 128], strides = [1, 1]} : vector<512x8192xf32> to vector<512x128xf32>
    %get3A_199 = arith.constant 0 : index
    %get3A_200 = arith.constant 1920 : index
    %get3A_201 = vector.load %arg4[%get3A_199, %get3A_200] : memref<1x8192xf32, #tpu.memory_space<vmem>>, vector<1x128xf32>
    %add3A_202 = vector.broadcast %get3A_11 : vector<512x1xf32> to vector<512x128xf32>
    %add3A_203 = vector.broadcast %get3A_201 : vector<1x128xf32> to vector<512x128xf32>
    %add3A_204 = arith.addf %add3A_202, %add3A_203 : vector<512x128xf32>
    %sub3A_205 = arith.subf %add3A_204, %slice3A_198 : vector<512x128xf32>
    %lt3A_206 = arith.cmpf olt, %sub3A_205, %select_n3A_194 : vector<512x128xf32>
    %select_n3A_207 = arith.select %lt3A_206, %sub3A_205, %select_n3A_194 : vector<512x128xi1>, vector<512x128xf32>
    %jit3A_208 = arith.constant 15 : i32
    %broadcast_in_dim3A_209 = vector.broadcast %jit3A_208 : i32 to vector<512x128xi32>
    %select_n3A_210 = arith.select %lt3A_206, %broadcast_in_dim3A_209, %select_n3A_197 : vector<512x128xi1>, vector<512x128xi32>
    %slice3A_211 = vector.extract_strided_slice %dot_general3A_8 {offsets = [0, 2048], sizes = [512, 128], strides = [1, 1]} : vector<512x8192xf32> to vector<512x128xf32>
    %get3A_212 = arith.constant 0 : index
    %get3A_213 = arith.constant 2048 : index
    %get3A_214 = vector.load %arg4[%get3A_212, %get3A_213] : memref<1x8192xf32, #tpu.memory_space<vmem>>, vector<1x128xf32>
    %add3A_215 = vector.broadcast %get3A_11 : vector<512x1xf32> to vector<512x128xf32>
    %add3A_216 = vector.broadcast %get3A_214 : vector<1x128xf32> to vector<512x128xf32>
    %add3A_217 = arith.addf %add3A_215, %add3A_216 : vector<512x128xf32>
    %sub3A_218 = arith.subf %add3A_217, %slice3A_211 : vector<512x128xf32>
    %lt3A_219 = arith.cmpf olt, %sub3A_218, %select_n3A_207 : vector<512x128xf32>
    %select_n3A_220 = arith.select %lt3A_219, %sub3A_218, %select_n3A_207 : vector<512x128xi1>, vector<512x128xf32>
    %jit3A_221 = arith.constant 16 : i32
    %broadcast_in_dim3A_222 = vector.broadcast %jit3A_221 : i32 to vector<512x128xi32>
    %select_n3A_223 = arith.select %lt3A_219, %broadcast_in_dim3A_222, %select_n3A_210 : vector<512x128xi1>, vector<512x128xi32>
    %slice3A_224 = vector.extract_strided_slice %dot_general3A_8 {offsets = [0, 2176], sizes = [512, 128], strides = [1, 1]} : vector<512x8192xf32> to vector<512x128xf32>
    %get3A_225 = arith.constant 0 : index
    %get3A_226 = arith.constant 2176 : index
    %get3A_227 = vector.load %arg4[%get3A_225, %get3A_226] : memref<1x8192xf32, #tpu.memory_space<vmem>>, vector<1x128xf32>
    %add3A_228 = vector.broadcast %get3A_11 : vector<512x1xf32> to vector<512x128xf32>
    %add3A_229 = vector.broadcast %get3A_227 : vector<1x128xf32> to vector<512x128xf32>
    %add3A_230 = arith.addf %add3A_228, %add3A_229 : vector<512x128xf32>
    %sub3A_231 = arith.subf %add3A_230, %slice3A_224 : vector<512x128xf32>
    %lt3A_232 = arith.cmpf olt, %sub3A_231, %select_n3A_220 : vector<512x128xf32>
    %select_n3A_233 = arith.select %lt3A_232, %sub3A_231, %select_n3A_220 : vector<512x128xi1>, vector<512x128xf32>
    %jit3A_234 = arith.constant 17 : i32
    %broadcast_in_dim3A_235 = vector.broadcast %jit3A_234 : i32 to vector<512x128xi32>
    %select_n3A_236 = arith.select %lt3A_232, %broadcast_in_dim3A_235, %select_n3A_223 : vector<512x128xi1>, vector<512x128xi32>
    %slice3A_237 = vector.extract_strided_slice %dot_general3A_8 {offsets = [0, 2304], sizes = [512, 128], strides = [1, 1]} : vector<512x8192xf32> to vector<512x128xf32>
    %get3A_238 = arith.constant 0 : index
    %get3A_239 = arith.constant 2304 : index
    %get3A_240 = vector.load %arg4[%get3A_238, %get3A_239] : memref<1x8192xf32, #tpu.memory_space<vmem>>, vector<1x128xf32>
    %add3A_241 = vector.broadcast %get3A_11 : vector<512x1xf32> to vector<512x128xf32>
    %add3A_242 = vector.broadcast %get3A_240 : vector<1x128xf32> to vector<512x128xf32>
    %add3A_243 = arith.addf %add3A_241, %add3A_242 : vector<512x128xf32>
    %sub3A_244 = arith.subf %add3A_243, %slice3A_237 : vector<512x128xf32>
    %lt3A_245 = arith.cmpf olt, %sub3A_244, %select_n3A_233 : vector<512x128xf32>
    %select_n3A_246 = arith.select %lt3A_245, %sub3A_244, %select_n3A_233 : vector<512x128xi1>, vector<512x128xf32>
    %jit3A_247 = arith.constant 18 : i32
    %broadcast_in_dim3A_248 = vector.broadcast %jit3A_247 : i32 to vector<512x128xi32>
    %select_n3A_249 = arith.select %lt3A_245, %broadcast_in_dim3A_248, %select_n3A_236 : vector<512x128xi1>, vector<512x128xi32>
    %slice3A_250 = vector.extract_strided_slice %dot_general3A_8 {offsets = [0, 2432], sizes = [512, 128], strides = [1, 1]} : vector<512x8192xf32> to vector<512x128xf32>
    %get3A_251 = arith.constant 0 : index
    %get3A_252 = arith.constant 2432 : index
    %get3A_253 = vector.load %arg4[%get3A_251, %get3A_252] : memref<1x8192xf32, #tpu.memory_space<vmem>>, vector<1x128xf32>
    %add3A_254 = vector.broadcast %get3A_11 : vector<512x1xf32> to vector<512x128xf32>
    %add3A_255 = vector.broadcast %get3A_253 : vector<1x128xf32> to vector<512x128xf32>
    %add3A_256 = arith.addf %add3A_254, %add3A_255 : vector<512x128xf32>
    %sub3A_257 = arith.subf %add3A_256, %slice3A_250 : vector<512x128xf32>
    %lt3A_258 = arith.cmpf olt, %sub3A_257, %select_n3A_246 : vector<512x128xf32>
    %select_n3A_259 = arith.select %lt3A_258, %sub3A_257, %select_n3A_246 : vector<512x128xi1>, vector<512x128xf32>
    %jit3A_260 = arith.constant 19 : i32
    %broadcast_in_dim3A_261 = vector.broadcast %jit3A_260 : i32 to vector<512x128xi32>
    %select_n3A_262 = arith.select %lt3A_258, %broadcast_in_dim3A_261, %select_n3A_249 : vector<512x128xi1>, vector<512x128xi32>
    %slice3A_263 = vector.extract_strided_slice %dot_general3A_8 {offsets = [0, 2560], sizes = [512, 128], strides = [1, 1]} : vector<512x8192xf32> to vector<512x128xf32>
    %get3A_264 = arith.constant 0 : index
    %get3A_265 = arith.constant 2560 : index
    %get3A_266 = vector.load %arg4[%get3A_264, %get3A_265] : memref<1x8192xf32, #tpu.memory_space<vmem>>, vector<1x128xf32>
    %add3A_267 = vector.broadcast %get3A_11 : vector<512x1xf32> to vector<512x128xf32>
    %add3A_268 = vector.broadcast %get3A_266 : vector<1x128xf32> to vector<512x128xf32>
    %add3A_269 = arith.addf %add3A_267, %add3A_268 : vector<512x128xf32>
    %sub3A_270 = arith.subf %add3A_269, %slice3A_263 : vector<512x128xf32>
    %lt3A_271 = arith.cmpf olt, %sub3A_270, %select_n3A_259 : vector<512x128xf32>
    %select_n3A_272 = arith.select %lt3A_271, %sub3A_270, %select_n3A_259 : vector<512x128xi1>, vector<512x128xf32>
    %jit3A_273 = arith.constant 20 : i32
    %broadcast_in_dim3A_274 = vector.broadcast %jit3A_273 : i32 to vector<512x128xi32>
    %select_n3A_275 = arith.select %lt3A_271, %broadcast_in_dim3A_274, %select_n3A_262 : vector<512x128xi1>, vector<512x128xi32>
    %slice3A_276 = vector.extract_strided_slice %dot_general3A_8 {offsets = [0, 2688], sizes = [512, 128], strides = [1, 1]} : vector<512x8192xf32> to vector<512x128xf32>
    %get3A_277 = arith.constant 0 : index
    %get3A_278 = arith.constant 2688 : index
    %get3A_279 = vector.load %arg4[%get3A_277, %get3A_278] : memref<1x8192xf32, #tpu.memory_space<vmem>>, vector<1x128xf32>
    %add3A_280 = vector.broadcast %get3A_11 : vector<512x1xf32> to vector<512x128xf32>
    %add3A_281 = vector.broadcast %get3A_279 : vector<1x128xf32> to vector<512x128xf32>
    %add3A_282 = arith.addf %add3A_280, %add3A_281 : vector<512x128xf32>
    %sub3A_283 = arith.subf %add3A_282, %slice3A_276 : vector<512x128xf32>
    %lt3A_284 = arith.cmpf olt, %sub3A_283, %select_n3A_272 : vector<512x128xf32>
    %select_n3A_285 = arith.select %lt3A_284, %sub3A_283, %select_n3A_272 : vector<512x128xi1>, vector<512x128xf32>
    %jit3A_286 = arith.constant 21 : i32
    %broadcast_in_dim3A_287 = vector.broadcast %jit3A_286 : i32 to vector<512x128xi32>
    %select_n3A_288 = arith.select %lt3A_284, %broadcast_in_dim3A_287, %select_n3A_275 : vector<512x128xi1>, vector<512x128xi32>
    %slice3A_289 = vector.extract_strided_slice %dot_general3A_8 {offsets = [0, 2816], sizes = [512, 128], strides = [1, 1]} : vector<512x8192xf32> to vector<512x128xf32>
    %get3A_290 = arith.constant 0 : index
    %get3A_291 = arith.constant 2816 : index
    %get3A_292 = vector.load %arg4[%get3A_290, %get3A_291] : memref<1x8192xf32, #tpu.memory_space<vmem>>, vector<1x128xf32>
    %add3A_293 = vector.broadcast %get3A_11 : vector<512x1xf32> to vector<512x128xf32>
    %add3A_294 = vector.broadcast %get3A_292 : vector<1x128xf32> to vector<512x128xf32>
    %add3A_295 = arith.addf %add3A_293, %add3A_294 : vector<512x128xf32>
    %sub3A_296 = arith.subf %add3A_295, %slice3A_289 : vector<512x128xf32>
    %lt3A_297 = arith.cmpf olt, %sub3A_296, %select_n3A_285 : vector<512x128xf32>
    %select_n3A_298 = arith.select %lt3A_297, %sub3A_296, %select_n3A_285 : vector<512x128xi1>, vector<512x128xf32>
    %jit3A_299 = arith.constant 22 : i32
    %broadcast_in_dim3A_300 = vector.broadcast %jit3A_299 : i32 to vector<512x128xi32>
    %select_n3A_301 = arith.select %lt3A_297, %broadcast_in_dim3A_300, %select_n3A_288 : vector<512x128xi1>, vector<512x128xi32>
    %slice3A_302 = vector.extract_strided_slice %dot_general3A_8 {offsets = [0, 2944], sizes = [512, 128], strides = [1, 1]} : vector<512x8192xf32> to vector<512x128xf32>
    %get3A_303 = arith.constant 0 : index
    %get3A_304 = arith.constant 2944 : index
    %get3A_305 = vector.load %arg4[%get3A_303, %get3A_304] : memref<1x8192xf32, #tpu.memory_space<vmem>>, vector<1x128xf32>
    %add3A_306 = vector.broadcast %get3A_11 : vector<512x1xf32> to vector<512x128xf32>
    %add3A_307 = vector.broadcast %get3A_305 : vector<1x128xf32> to vector<512x128xf32>
    %add3A_308 = arith.addf %add3A_306, %add3A_307 : vector<512x128xf32>
    %sub3A_309 = arith.subf %add3A_308, %slice3A_302 : vector<512x128xf32>
    %lt3A_310 = arith.cmpf olt, %sub3A_309, %select_n3A_298 : vector<512x128xf32>
    %select_n3A_311 = arith.select %lt3A_310, %sub3A_309, %select_n3A_298 : vector<512x128xi1>, vector<512x128xf32>
    %jit3A_312 = arith.constant 23 : i32
    %broadcast_in_dim3A_313 = vector.broadcast %jit3A_312 : i32 to vector<512x128xi32>
    %select_n3A_314 = arith.select %lt3A_310, %broadcast_in_dim3A_313, %select_n3A_301 : vector<512x128xi1>, vector<512x128xi32>
    %slice3A_315 = vector.extract_strided_slice %dot_general3A_8 {offsets = [0, 3072], sizes = [512, 128], strides = [1, 1]} : vector<512x8192xf32> to vector<512x128xf32>
    %get3A_316 = arith.constant 0 : index
    %get3A_317 = arith.constant 3072 : index
    %get3A_318 = vector.load %arg4[%get3A_316, %get3A_317] : memref<1x8192xf32, #tpu.memory_space<vmem>>, vector<1x128xf32>
    %add3A_319 = vector.broadcast %get3A_11 : vector<512x1xf32> to vector<512x128xf32>
    %add3A_320 = vector.broadcast %get3A_318 : vector<1x128xf32> to vector<512x128xf32>
    %add3A_321 = arith.addf %add3A_319, %add3A_320 : vector<512x128xf32>
    %sub3A_322 = arith.subf %add3A_321, %slice3A_315 : vector<512x128xf32>
    %lt3A_323 = arith.cmpf olt, %sub3A_322, %select_n3A_311 : vector<512x128xf32>
    %select_n3A_324 = arith.select %lt3A_323, %sub3A_322, %select_n3A_311 : vector<512x128xi1>, vector<512x128xf32>
    %jit3A_325 = arith.constant 24 : i32
    %broadcast_in_dim3A_326 = vector.broadcast %jit3A_325 : i32 to vector<512x128xi32>
    %select_n3A_327 = arith.select %lt3A_323, %broadcast_in_dim3A_326, %select_n3A_314 : vector<512x128xi1>, vector<512x128xi32>
    %slice3A_328 = vector.extract_strided_slice %dot_general3A_8 {offsets = [0, 3200], sizes = [512, 128], strides = [1, 1]} : vector<512x8192xf32> to vector<512x128xf32>
    %get3A_329 = arith.constant 0 : index
    %get3A_330 = arith.constant 3200 : index
    %get3A_331 = vector.load %arg4[%get3A_329, %get3A_330] : memref<1x8192xf32, #tpu.memory_space<vmem>>, vector<1x128xf32>
    %add3A_332 = vector.broadcast %get3A_11 : vector<512x1xf32> to vector<512x128xf32>
    %add3A_333 = vector.broadcast %get3A_331 : vector<1x128xf32> to vector<512x128xf32>
    %add3A_334 = arith.addf %add3A_332, %add3A_333 : vector<512x128xf32>
    %sub3A_335 = arith.subf %add3A_334, %slice3A_328 : vector<512x128xf32>
    %lt3A_336 = arith.cmpf olt, %sub3A_335, %select_n3A_324 : vector<512x128xf32>
    %select_n3A_337 = arith.select %lt3A_336, %sub3A_335, %select_n3A_324 : vector<512x128xi1>, vector<512x128xf32>
    %jit3A_338 = arith.constant 25 : i32
    %broadcast_in_dim3A_339 = vector.broadcast %jit3A_338 : i32 to vector<512x128xi32>
    %select_n3A_340 = arith.select %lt3A_336, %broadcast_in_dim3A_339, %select_n3A_327 : vector<512x128xi1>, vector<512x128xi32>
    %slice3A_341 = vector.extract_strided_slice %dot_general3A_8 {offsets = [0, 3328], sizes = [512, 128], strides = [1, 1]} : vector<512x8192xf32> to vector<512x128xf32>
    %get3A_342 = arith.constant 0 : index
    %get3A_343 = arith.constant 3328 : index
    %get3A_344 = vector.load %arg4[%get3A_342, %get3A_343] : memref<1x8192xf32, #tpu.memory_space<vmem>>, vector<1x128xf32>
    %add3A_345 = vector.broadcast %get3A_11 : vector<512x1xf32> to vector<512x128xf32>
    %add3A_346 = vector.broadcast %get3A_344 : vector<1x128xf32> to vector<512x128xf32>
    %add3A_347 = arith.addf %add3A_345, %add3A_346 : vector<512x128xf32>
    %sub3A_348 = arith.subf %add3A_347, %slice3A_341 : vector<512x128xf32>
    %lt3A_349 = arith.cmpf olt, %sub3A_348, %select_n3A_337 : vector<512x128xf32>
    %select_n3A_350 = arith.select %lt3A_349, %sub3A_348, %select_n3A_337 : vector<512x128xi1>, vector<512x128xf32>
    %jit3A_351 = arith.constant 26 : i32
    %broadcast_in_dim3A_352 = vector.broadcast %jit3A_351 : i32 to vector<512x128xi32>
    %select_n3A_353 = arith.select %lt3A_349, %broadcast_in_dim3A_352, %select_n3A_340 : vector<512x128xi1>, vector<512x128xi32>
    %slice3A_354 = vector.extract_strided_slice %dot_general3A_8 {offsets = [0, 3456], sizes = [512, 128], strides = [1, 1]} : vector<512x8192xf32> to vector<512x128xf32>
    %get3A_355 = arith.constant 0 : index
    %get3A_356 = arith.constant 3456 : index
    %get3A_357 = vector.load %arg4[%get3A_355, %get3A_356] : memref<1x8192xf32, #tpu.memory_space<vmem>>, vector<1x128xf32>
    %add3A_358 = vector.broadcast %get3A_11 : vector<512x1xf32> to vector<512x128xf32>
    %add3A_359 = vector.broadcast %get3A_357 : vector<1x128xf32> to vector<512x128xf32>
    %add3A_360 = arith.addf %add3A_358, %add3A_359 : vector<512x128xf32>
    %sub3A_361 = arith.subf %add3A_360, %slice3A_354 : vector<512x128xf32>
    %lt3A_362 = arith.cmpf olt, %sub3A_361, %select_n3A_350 : vector<512x128xf32>
    %select_n3A_363 = arith.select %lt3A_362, %sub3A_361, %select_n3A_350 : vector<512x128xi1>, vector<512x128xf32>
    %jit3A_364 = arith.constant 27 : i32
    %broadcast_in_dim3A_365 = vector.broadcast %jit3A_364 : i32 to vector<512x128xi32>
    %select_n3A_366 = arith.select %lt3A_362, %broadcast_in_dim3A_365, %select_n3A_353 : vector<512x128xi1>, vector<512x128xi32>
    %slice3A_367 = vector.extract_strided_slice %dot_general3A_8 {offsets = [0, 3584], sizes = [512, 128], strides = [1, 1]} : vector<512x8192xf32> to vector<512x128xf32>
    %get3A_368 = arith.constant 0 : index
    %get3A_369 = arith.constant 3584 : index
    %get3A_370 = vector.load %arg4[%get3A_368, %get3A_369] : memref<1x8192xf32, #tpu.memory_space<vmem>>, vector<1x128xf32>
    %add3A_371 = vector.broadcast %get3A_11 : vector<512x1xf32> to vector<512x128xf32>
    %add3A_372 = vector.broadcast %get3A_370 : vector<1x128xf32> to vector<512x128xf32>
    %add3A_373 = arith.addf %add3A_371, %add3A_372 : vector<512x128xf32>
    %sub3A_374 = arith.subf %add3A_373, %slice3A_367 : vector<512x128xf32>
    %lt3A_375 = arith.cmpf olt, %sub3A_374, %select_n3A_363 : vector<512x128xf32>
    %select_n3A_376 = arith.select %lt3A_375, %sub3A_374, %select_n3A_363 : vector<512x128xi1>, vector<512x128xf32>
    %jit3A_377 = arith.constant 28 : i32
    %broadcast_in_dim3A_378 = vector.broadcast %jit3A_377 : i32 to vector<512x128xi32>
    %select_n3A_379 = arith.select %lt3A_375, %broadcast_in_dim3A_378, %select_n3A_366 : vector<512x128xi1>, vector<512x128xi32>
    %slice3A_380 = vector.extract_strided_slice %dot_general3A_8 {offsets = [0, 3712], sizes = [512, 128], strides = [1, 1]} : vector<512x8192xf32> to vector<512x128xf32>
    %get3A_381 = arith.constant 0 : index
    %get3A_382 = arith.constant 3712 : index
    %get3A_383 = vector.load %arg4[%get3A_381, %get3A_382] : memref<1x8192xf32, #tpu.memory_space<vmem>>, vector<1x128xf32>
    %add3A_384 = vector.broadcast %get3A_11 : vector<512x1xf32> to vector<512x128xf32>
    %add3A_385 = vector.broadcast %get3A_383 : vector<1x128xf32> to vector<512x128xf32>
    %add3A_386 = arith.addf %add3A_384, %add3A_385 : vector<512x128xf32>
    %sub3A_387 = arith.subf %add3A_386, %slice3A_380 : vector<512x128xf32>
    %lt3A_388 = arith.cmpf olt, %sub3A_387, %select_n3A_376 : vector<512x128xf32>
    %select_n3A_389 = arith.select %lt3A_388, %sub3A_387, %select_n3A_376 : vector<512x128xi1>, vector<512x128xf32>
    %jit3A_390 = arith.constant 29 : i32
    %broadcast_in_dim3A_391 = vector.broadcast %jit3A_390 : i32 to vector<512x128xi32>
    %select_n3A_392 = arith.select %lt3A_388, %broadcast_in_dim3A_391, %select_n3A_379 : vector<512x128xi1>, vector<512x128xi32>
    %slice3A_393 = vector.extract_strided_slice %dot_general3A_8 {offsets = [0, 3840], sizes = [512, 128], strides = [1, 1]} : vector<512x8192xf32> to vector<512x128xf32>
    %get3A_394 = arith.constant 0 : index
    %get3A_395 = arith.constant 3840 : index
    %get3A_396 = vector.load %arg4[%get3A_394, %get3A_395] : memref<1x8192xf32, #tpu.memory_space<vmem>>, vector<1x128xf32>
    %add3A_397 = vector.broadcast %get3A_11 : vector<512x1xf32> to vector<512x128xf32>
    %add3A_398 = vector.broadcast %get3A_396 : vector<1x128xf32> to vector<512x128xf32>
    %add3A_399 = arith.addf %add3A_397, %add3A_398 : vector<512x128xf32>
    %sub3A_400 = arith.subf %add3A_399, %slice3A_393 : vector<512x128xf32>
    %lt3A_401 = arith.cmpf olt, %sub3A_400, %select_n3A_389 : vector<512x128xf32>
    %select_n3A_402 = arith.select %lt3A_401, %sub3A_400, %select_n3A_389 : vector<512x128xi1>, vector<512x128xf32>
    %jit3A_403 = arith.constant 30 : i32
    %broadcast_in_dim3A_404 = vector.broadcast %jit3A_403 : i32 to vector<512x128xi32>
    %select_n3A_405 = arith.select %lt3A_401, %broadcast_in_dim3A_404, %select_n3A_392 : vector<512x128xi1>, vector<512x128xi32>
    %slice3A_406 = vector.extract_strided_slice %dot_general3A_8 {offsets = [0, 3968], sizes = [512, 128], strides = [1, 1]} : vector<512x8192xf32> to vector<512x128xf32>
    %get3A_407 = arith.constant 0 : index
    %get3A_408 = arith.constant 3968 : index
    %get3A_409 = vector.load %arg4[%get3A_407, %get3A_408] : memref<1x8192xf32, #tpu.memory_space<vmem>>, vector<1x128xf32>
    %add3A_410 = vector.broadcast %get3A_11 : vector<512x1xf32> to vector<512x128xf32>
    %add3A_411 = vector.broadcast %get3A_409 : vector<1x128xf32> to vector<512x128xf32>
    %add3A_412 = arith.addf %add3A_410, %add3A_411 : vector<512x128xf32>
    %sub3A_413 = arith.subf %add3A_412, %slice3A_406 : vector<512x128xf32>
    %lt3A_414 = arith.cmpf olt, %sub3A_413, %select_n3A_402 : vector<512x128xf32>
    %select_n3A_415 = arith.select %lt3A_414, %sub3A_413, %select_n3A_402 : vector<512x128xi1>, vector<512x128xf32>
    %jit3A_416 = arith.constant 31 : i32
    %broadcast_in_dim3A_417 = vector.broadcast %jit3A_416 : i32 to vector<512x128xi32>
    %select_n3A_418 = arith.select %lt3A_414, %broadcast_in_dim3A_417, %select_n3A_405 : vector<512x128xi1>, vector<512x128xi32>
    %reduce_min3A = arith.constant dense<0x7F800000> : vector<512xf32>
    %reduce_min3A_419 = vector.multi_reduction <minimumf>, %select_n3A_415, %reduce_min3A [1] : vector<512x128xf32> to vector<512xf32>
    %broadcast_in_dim3A_420 = vector.shape_cast %reduce_min3A_419 : vector<512xf32> to vector<512x1xf32>
    %iota3A = tpu.iota {dimensions = array<i32: 1>} : vector<512x128xi32>
    %mul3A = arith.constant 128 : i32
    %mul3A_421 = vector.broadcast %mul3A : i32 to vector<512x128xi32>
    %mul3A_422 = arith.muli %select_n3A_418, %mul3A_421 : vector<512x128xi32>
    %add3A_423 = arith.addi %mul3A_422, %iota3A : vector<512x128xi32>
    %add3A_424 = arith.constant 0 : i32
    %add3A_425 = vector.broadcast %add3A_424 : i32 to vector<512x128xi32>
    %add3A_426 = arith.addi %add3A_423, %add3A_425 : vector<512x128xi32>
    %eq3A = vector.broadcast %broadcast_in_dim3A_420 : vector<512x1xf32> to vector<512x128xf32>
    %eq3A_427 = arith.cmpf oeq, %select_n3A_415, %eq3A : vector<512x128xf32>
    %jit3A_428 = arith.constant 8192 : i32
    %broadcast_in_dim3A_429 = vector.broadcast %jit3A_428 : i32 to vector<512x128xi32>
    %select_n3A_430 = arith.select %eq3A_427, %add3A_426, %broadcast_in_dim3A_429 : vector<512x128xi1>, vector<512x128xi32>
    %reduce_min3A_431 = arith.constant dense<2147483647> : vector<512xi32>
    %reduce_min3A_432 = vector.multi_reduction <minsi>, %select_n3A_430, %reduce_min3A_431 [1] : vector<512x128xi32> to vector<512xi32>
    %broadcast_in_dim3A_433 = vector.shape_cast %reduce_min3A_432 : vector<512xi32> to vector<512x1xi32>
    %slice3A_434 = vector.extract_strided_slice %dot_general3A_8 {offsets = [0, 4096], sizes = [512, 128], strides = [1, 1]} : vector<512x8192xf32> to vector<512x128xf32>
    %get3A_435 = arith.constant 0 : index
    %get3A_436 = arith.constant 4096 : index
    %get3A_437 = vector.load %arg4[%get3A_435, %get3A_436] : memref<1x8192xf32, #tpu.memory_space<vmem>>, vector<1x128xf32>
    %add3A_438 = vector.broadcast %get3A_11 : vector<512x1xf32> to vector<512x128xf32>
    %add3A_439 = vector.broadcast %get3A_437 : vector<1x128xf32> to vector<512x128xf32>
    %add3A_440 = arith.addf %add3A_438, %add3A_439 : vector<512x128xf32>
    %sub3A_441 = arith.subf %add3A_440, %slice3A_434 : vector<512x128xf32>
    %broadcast_in_dim3A_442 = arith.constant 0 : i32
    %broadcast_in_dim3A_443 = vector.broadcast %broadcast_in_dim3A_442 : i32 to vector<512x128xi32>
    %slice3A_444 = vector.extract_strided_slice %dot_general3A_8 {offsets = [0, 4224], sizes = [512, 128], strides = [1, 1]} : vector<512x8192xf32> to vector<512x128xf32>
    %get3A_445 = arith.constant 0 : index
    %get3A_446 = arith.constant 4224 : index
    %get3A_447 = vector.load %arg4[%get3A_445, %get3A_446] : memref<1x8192xf32, #tpu.memory_space<vmem>>, vector<1x128xf32>
    %add3A_448 = vector.broadcast %get3A_11 : vector<512x1xf32> to vector<512x128xf32>
    %add3A_449 = vector.broadcast %get3A_447 : vector<1x128xf32> to vector<512x128xf32>
    %add3A_450 = arith.addf %add3A_448, %add3A_449 : vector<512x128xf32>
    %sub3A_451 = arith.subf %add3A_450, %slice3A_444 : vector<512x128xf32>
    %lt3A_452 = arith.cmpf olt, %sub3A_451, %sub3A_441 : vector<512x128xf32>
    %select_n3A_453 = arith.select %lt3A_452, %sub3A_451, %sub3A_441 : vector<512x128xi1>, vector<512x128xf32>
    %jit3A_454 = arith.constant 1 : i32
    %broadcast_in_dim3A_455 = vector.broadcast %jit3A_454 : i32 to vector<512x128xi32>
    %select_n3A_456 = arith.select %lt3A_452, %broadcast_in_dim3A_455, %broadcast_in_dim3A_443 : vector<512x128xi1>, vector<512x128xi32>
    %slice3A_457 = vector.extract_strided_slice %dot_general3A_8 {offsets = [0, 4352], sizes = [512, 128], strides = [1, 1]} : vector<512x8192xf32> to vector<512x128xf32>
    %get3A_458 = arith.constant 0 : index
    %get3A_459 = arith.constant 4352 : index
    %get3A_460 = vector.load %arg4[%get3A_458, %get3A_459] : memref<1x8192xf32, #tpu.memory_space<vmem>>, vector<1x128xf32>
    %add3A_461 = vector.broadcast %get3A_11 : vector<512x1xf32> to vector<512x128xf32>
    %add3A_462 = vector.broadcast %get3A_460 : vector<1x128xf32> to vector<512x128xf32>
    %add3A_463 = arith.addf %add3A_461, %add3A_462 : vector<512x128xf32>
    %sub3A_464 = arith.subf %add3A_463, %slice3A_457 : vector<512x128xf32>
    %lt3A_465 = arith.cmpf olt, %sub3A_464, %select_n3A_453 : vector<512x128xf32>
    %select_n3A_466 = arith.select %lt3A_465, %sub3A_464, %select_n3A_453 : vector<512x128xi1>, vector<512x128xf32>
    %jit3A_467 = arith.constant 2 : i32
    %broadcast_in_dim3A_468 = vector.broadcast %jit3A_467 : i32 to vector<512x128xi32>
    %select_n3A_469 = arith.select %lt3A_465, %broadcast_in_dim3A_468, %select_n3A_456 : vector<512x128xi1>, vector<512x128xi32>
    %slice3A_470 = vector.extract_strided_slice %dot_general3A_8 {offsets = [0, 4480], sizes = [512, 128], strides = [1, 1]} : vector<512x8192xf32> to vector<512x128xf32>
    %get3A_471 = arith.constant 0 : index
    %get3A_472 = arith.constant 4480 : index
    %get3A_473 = vector.load %arg4[%get3A_471, %get3A_472] : memref<1x8192xf32, #tpu.memory_space<vmem>>, vector<1x128xf32>
    %add3A_474 = vector.broadcast %get3A_11 : vector<512x1xf32> to vector<512x128xf32>
    %add3A_475 = vector.broadcast %get3A_473 : vector<1x128xf32> to vector<512x128xf32>
    %add3A_476 = arith.addf %add3A_474, %add3A_475 : vector<512x128xf32>
    %sub3A_477 = arith.subf %add3A_476, %slice3A_470 : vector<512x128xf32>
    %lt3A_478 = arith.cmpf olt, %sub3A_477, %select_n3A_466 : vector<512x128xf32>
    %select_n3A_479 = arith.select %lt3A_478, %sub3A_477, %select_n3A_466 : vector<512x128xi1>, vector<512x128xf32>
    %jit3A_480 = arith.constant 3 : i32
    %broadcast_in_dim3A_481 = vector.broadcast %jit3A_480 : i32 to vector<512x128xi32>
    %select_n3A_482 = arith.select %lt3A_478, %broadcast_in_dim3A_481, %select_n3A_469 : vector<512x128xi1>, vector<512x128xi32>
    %slice3A_483 = vector.extract_strided_slice %dot_general3A_8 {offsets = [0, 4608], sizes = [512, 128], strides = [1, 1]} : vector<512x8192xf32> to vector<512x128xf32>
    %get3A_484 = arith.constant 0 : index
    %get3A_485 = arith.constant 4608 : index
    %get3A_486 = vector.load %arg4[%get3A_484, %get3A_485] : memref<1x8192xf32, #tpu.memory_space<vmem>>, vector<1x128xf32>
    %add3A_487 = vector.broadcast %get3A_11 : vector<512x1xf32> to vector<512x128xf32>
    %add3A_488 = vector.broadcast %get3A_486 : vector<1x128xf32> to vector<512x128xf32>
    %add3A_489 = arith.addf %add3A_487, %add3A_488 : vector<512x128xf32>
    %sub3A_490 = arith.subf %add3A_489, %slice3A_483 : vector<512x128xf32>
    %lt3A_491 = arith.cmpf olt, %sub3A_490, %select_n3A_479 : vector<512x128xf32>
    %select_n3A_492 = arith.select %lt3A_491, %sub3A_490, %select_n3A_479 : vector<512x128xi1>, vector<512x128xf32>
    %jit3A_493 = arith.constant 4 : i32
    %broadcast_in_dim3A_494 = vector.broadcast %jit3A_493 : i32 to vector<512x128xi32>
    %select_n3A_495 = arith.select %lt3A_491, %broadcast_in_dim3A_494, %select_n3A_482 : vector<512x128xi1>, vector<512x128xi32>
    %slice3A_496 = vector.extract_strided_slice %dot_general3A_8 {offsets = [0, 4736], sizes = [512, 128], strides = [1, 1]} : vector<512x8192xf32> to vector<512x128xf32>
    %get3A_497 = arith.constant 0 : index
    %get3A_498 = arith.constant 4736 : index
    %get3A_499 = vector.load %arg4[%get3A_497, %get3A_498] : memref<1x8192xf32, #tpu.memory_space<vmem>>, vector<1x128xf32>
    %add3A_500 = vector.broadcast %get3A_11 : vector<512x1xf32> to vector<512x128xf32>
    %add3A_501 = vector.broadcast %get3A_499 : vector<1x128xf32> to vector<512x128xf32>
    %add3A_502 = arith.addf %add3A_500, %add3A_501 : vector<512x128xf32>
    %sub3A_503 = arith.subf %add3A_502, %slice3A_496 : vector<512x128xf32>
    %lt3A_504 = arith.cmpf olt, %sub3A_503, %select_n3A_492 : vector<512x128xf32>
    %select_n3A_505 = arith.select %lt3A_504, %sub3A_503, %select_n3A_492 : vector<512x128xi1>, vector<512x128xf32>
    %jit3A_506 = arith.constant 5 : i32
    %broadcast_in_dim3A_507 = vector.broadcast %jit3A_506 : i32 to vector<512x128xi32>
    %select_n3A_508 = arith.select %lt3A_504, %broadcast_in_dim3A_507, %select_n3A_495 : vector<512x128xi1>, vector<512x128xi32>
    %slice3A_509 = vector.extract_strided_slice %dot_general3A_8 {offsets = [0, 4864], sizes = [512, 128], strides = [1, 1]} : vector<512x8192xf32> to vector<512x128xf32>
    %get3A_510 = arith.constant 0 : index
    %get3A_511 = arith.constant 4864 : index
    %get3A_512 = vector.load %arg4[%get3A_510, %get3A_511] : memref<1x8192xf32, #tpu.memory_space<vmem>>, vector<1x128xf32>
    %add3A_513 = vector.broadcast %get3A_11 : vector<512x1xf32> to vector<512x128xf32>
    %add3A_514 = vector.broadcast %get3A_512 : vector<1x128xf32> to vector<512x128xf32>
    %add3A_515 = arith.addf %add3A_513, %add3A_514 : vector<512x128xf32>
    %sub3A_516 = arith.subf %add3A_515, %slice3A_509 : vector<512x128xf32>
    %lt3A_517 = arith.cmpf olt, %sub3A_516, %select_n3A_505 : vector<512x128xf32>
    %select_n3A_518 = arith.select %lt3A_517, %sub3A_516, %select_n3A_505 : vector<512x128xi1>, vector<512x128xf32>
    %jit3A_519 = arith.constant 6 : i32
    %broadcast_in_dim3A_520 = vector.broadcast %jit3A_519 : i32 to vector<512x128xi32>
    %select_n3A_521 = arith.select %lt3A_517, %broadcast_in_dim3A_520, %select_n3A_508 : vector<512x128xi1>, vector<512x128xi32>
    %slice3A_522 = vector.extract_strided_slice %dot_general3A_8 {offsets = [0, 4992], sizes = [512, 128], strides = [1, 1]} : vector<512x8192xf32> to vector<512x128xf32>
    %get3A_523 = arith.constant 0 : index
    %get3A_524 = arith.constant 4992 : index
    %get3A_525 = vector.load %arg4[%get3A_523, %get3A_524] : memref<1x8192xf32, #tpu.memory_space<vmem>>, vector<1x128xf32>
    %add3A_526 = vector.broadcast %get3A_11 : vector<512x1xf32> to vector<512x128xf32>
    %add3A_527 = vector.broadcast %get3A_525 : vector<1x128xf32> to vector<512x128xf32>
    %add3A_528 = arith.addf %add3A_526, %add3A_527 : vector<512x128xf32>
    %sub3A_529 = arith.subf %add3A_528, %slice3A_522 : vector<512x128xf32>
    %lt3A_530 = arith.cmpf olt, %sub3A_529, %select_n3A_518 : vector<512x128xf32>
    %select_n3A_531 = arith.select %lt3A_530, %sub3A_529, %select_n3A_518 : vector<512x128xi1>, vector<512x128xf32>
    %jit3A_532 = arith.constant 7 : i32
    %broadcast_in_dim3A_533 = vector.broadcast %jit3A_532 : i32 to vector<512x128xi32>
    %select_n3A_534 = arith.select %lt3A_530, %broadcast_in_dim3A_533, %select_n3A_521 : vector<512x128xi1>, vector<512x128xi32>
    %slice3A_535 = vector.extract_strided_slice %dot_general3A_8 {offsets = [0, 5120], sizes = [512, 128], strides = [1, 1]} : vector<512x8192xf32> to vector<512x128xf32>
    %get3A_536 = arith.constant 0 : index
    %get3A_537 = arith.constant 5120 : index
    %get3A_538 = vector.load %arg4[%get3A_536, %get3A_537] : memref<1x8192xf32, #tpu.memory_space<vmem>>, vector<1x128xf32>
    %add3A_539 = vector.broadcast %get3A_11 : vector<512x1xf32> to vector<512x128xf32>
    %add3A_540 = vector.broadcast %get3A_538 : vector<1x128xf32> to vector<512x128xf32>
    %add3A_541 = arith.addf %add3A_539, %add3A_540 : vector<512x128xf32>
    %sub3A_542 = arith.subf %add3A_541, %slice3A_535 : vector<512x128xf32>
    %lt3A_543 = arith.cmpf olt, %sub3A_542, %select_n3A_531 : vector<512x128xf32>
    %select_n3A_544 = arith.select %lt3A_543, %sub3A_542, %select_n3A_531 : vector<512x128xi1>, vector<512x128xf32>
    %jit3A_545 = arith.constant 8 : i32
    %broadcast_in_dim3A_546 = vector.broadcast %jit3A_545 : i32 to vector<512x128xi32>
    %select_n3A_547 = arith.select %lt3A_543, %broadcast_in_dim3A_546, %select_n3A_534 : vector<512x128xi1>, vector<512x128xi32>
    %slice3A_548 = vector.extract_strided_slice %dot_general3A_8 {offsets = [0, 5248], sizes = [512, 128], strides = [1, 1]} : vector<512x8192xf32> to vector<512x128xf32>
    %get3A_549 = arith.constant 0 : index
    %get3A_550 = arith.constant 5248 : index
    %get3A_551 = vector.load %arg4[%get3A_549, %get3A_550] : memref<1x8192xf32, #tpu.memory_space<vmem>>, vector<1x128xf32>
    %add3A_552 = vector.broadcast %get3A_11 : vector<512x1xf32> to vector<512x128xf32>
    %add3A_553 = vector.broadcast %get3A_551 : vector<1x128xf32> to vector<512x128xf32>
    %add3A_554 = arith.addf %add3A_552, %add3A_553 : vector<512x128xf32>
    %sub3A_555 = arith.subf %add3A_554, %slice3A_548 : vector<512x128xf32>
    %lt3A_556 = arith.cmpf olt, %sub3A_555, %select_n3A_544 : vector<512x128xf32>
    %select_n3A_557 = arith.select %lt3A_556, %sub3A_555, %select_n3A_544 : vector<512x128xi1>, vector<512x128xf32>
    %jit3A_558 = arith.constant 9 : i32
    %broadcast_in_dim3A_559 = vector.broadcast %jit3A_558 : i32 to vector<512x128xi32>
    %select_n3A_560 = arith.select %lt3A_556, %broadcast_in_dim3A_559, %select_n3A_547 : vector<512x128xi1>, vector<512x128xi32>
    %slice3A_561 = vector.extract_strided_slice %dot_general3A_8 {offsets = [0, 5376], sizes = [512, 128], strides = [1, 1]} : vector<512x8192xf32> to vector<512x128xf32>
    %get3A_562 = arith.constant 0 : index
    %get3A_563 = arith.constant 5376 : index
    %get3A_564 = vector.load %arg4[%get3A_562, %get3A_563] : memref<1x8192xf32, #tpu.memory_space<vmem>>, vector<1x128xf32>
    %add3A_565 = vector.broadcast %get3A_11 : vector<512x1xf32> to vector<512x128xf32>
    %add3A_566 = vector.broadcast %get3A_564 : vector<1x128xf32> to vector<512x128xf32>
    %add3A_567 = arith.addf %add3A_565, %add3A_566 : vector<512x128xf32>
    %sub3A_568 = arith.subf %add3A_567, %slice3A_561 : vector<512x128xf32>
    %lt3A_569 = arith.cmpf olt, %sub3A_568, %select_n3A_557 : vector<512x128xf32>
    %select_n3A_570 = arith.select %lt3A_569, %sub3A_568, %select_n3A_557 : vector<512x128xi1>, vector<512x128xf32>
    %jit3A_571 = arith.constant 10 : i32
    %broadcast_in_dim3A_572 = vector.broadcast %jit3A_571 : i32 to vector<512x128xi32>
    %select_n3A_573 = arith.select %lt3A_569, %broadcast_in_dim3A_572, %select_n3A_560 : vector<512x128xi1>, vector<512x128xi32>
    %slice3A_574 = vector.extract_strided_slice %dot_general3A_8 {offsets = [0, 5504], sizes = [512, 128], strides = [1, 1]} : vector<512x8192xf32> to vector<512x128xf32>
    %get3A_575 = arith.constant 0 : index
    %get3A_576 = arith.constant 5504 : index
    %get3A_577 = vector.load %arg4[%get3A_575, %get3A_576] : memref<1x8192xf32, #tpu.memory_space<vmem>>, vector<1x128xf32>
    %add3A_578 = vector.broadcast %get3A_11 : vector<512x1xf32> to vector<512x128xf32>
    %add3A_579 = vector.broadcast %get3A_577 : vector<1x128xf32> to vector<512x128xf32>
    %add3A_580 = arith.addf %add3A_578, %add3A_579 : vector<512x128xf32>
    %sub3A_581 = arith.subf %add3A_580, %slice3A_574 : vector<512x128xf32>
    %lt3A_582 = arith.cmpf olt, %sub3A_581, %select_n3A_570 : vector<512x128xf32>
    %select_n3A_583 = arith.select %lt3A_582, %sub3A_581, %select_n3A_570 : vector<512x128xi1>, vector<512x128xf32>
    %jit3A_584 = arith.constant 11 : i32
    %broadcast_in_dim3A_585 = vector.broadcast %jit3A_584 : i32 to vector<512x128xi32>
    %select_n3A_586 = arith.select %lt3A_582, %broadcast_in_dim3A_585, %select_n3A_573 : vector<512x128xi1>, vector<512x128xi32>
    %slice3A_587 = vector.extract_strided_slice %dot_general3A_8 {offsets = [0, 5632], sizes = [512, 128], strides = [1, 1]} : vector<512x8192xf32> to vector<512x128xf32>
    %get3A_588 = arith.constant 0 : index
    %get3A_589 = arith.constant 5632 : index
    %get3A_590 = vector.load %arg4[%get3A_588, %get3A_589] : memref<1x8192xf32, #tpu.memory_space<vmem>>, vector<1x128xf32>
    %add3A_591 = vector.broadcast %get3A_11 : vector<512x1xf32> to vector<512x128xf32>
    %add3A_592 = vector.broadcast %get3A_590 : vector<1x128xf32> to vector<512x128xf32>
    %add3A_593 = arith.addf %add3A_591, %add3A_592 : vector<512x128xf32>
    %sub3A_594 = arith.subf %add3A_593, %slice3A_587 : vector<512x128xf32>
    %lt3A_595 = arith.cmpf olt, %sub3A_594, %select_n3A_583 : vector<512x128xf32>
    %select_n3A_596 = arith.select %lt3A_595, %sub3A_594, %select_n3A_583 : vector<512x128xi1>, vector<512x128xf32>
    %jit3A_597 = arith.constant 12 : i32
    %broadcast_in_dim3A_598 = vector.broadcast %jit3A_597 : i32 to vector<512x128xi32>
    %select_n3A_599 = arith.select %lt3A_595, %broadcast_in_dim3A_598, %select_n3A_586 : vector<512x128xi1>, vector<512x128xi32>
    %slice3A_600 = vector.extract_strided_slice %dot_general3A_8 {offsets = [0, 5760], sizes = [512, 128], strides = [1, 1]} : vector<512x8192xf32> to vector<512x128xf32>
    %get3A_601 = arith.constant 0 : index
    %get3A_602 = arith.constant 5760 : index
    %get3A_603 = vector.load %arg4[%get3A_601, %get3A_602] : memref<1x8192xf32, #tpu.memory_space<vmem>>, vector<1x128xf32>
    %add3A_604 = vector.broadcast %get3A_11 : vector<512x1xf32> to vector<512x128xf32>
    %add3A_605 = vector.broadcast %get3A_603 : vector<1x128xf32> to vector<512x128xf32>
    %add3A_606 = arith.addf %add3A_604, %add3A_605 : vector<512x128xf32>
    %sub3A_607 = arith.subf %add3A_606, %slice3A_600 : vector<512x128xf32>
    %lt3A_608 = arith.cmpf olt, %sub3A_607, %select_n3A_596 : vector<512x128xf32>
    %select_n3A_609 = arith.select %lt3A_608, %sub3A_607, %select_n3A_596 : vector<512x128xi1>, vector<512x128xf32>
    %jit3A_610 = arith.constant 13 : i32
    %broadcast_in_dim3A_611 = vector.broadcast %jit3A_610 : i32 to vector<512x128xi32>
    %select_n3A_612 = arith.select %lt3A_608, %broadcast_in_dim3A_611, %select_n3A_599 : vector<512x128xi1>, vector<512x128xi32>
    %slice3A_613 = vector.extract_strided_slice %dot_general3A_8 {offsets = [0, 5888], sizes = [512, 128], strides = [1, 1]} : vector<512x8192xf32> to vector<512x128xf32>
    %get3A_614 = arith.constant 0 : index
    %get3A_615 = arith.constant 5888 : index
    %get3A_616 = vector.load %arg4[%get3A_614, %get3A_615] : memref<1x8192xf32, #tpu.memory_space<vmem>>, vector<1x128xf32>
    %add3A_617 = vector.broadcast %get3A_11 : vector<512x1xf32> to vector<512x128xf32>
    %add3A_618 = vector.broadcast %get3A_616 : vector<1x128xf32> to vector<512x128xf32>
    %add3A_619 = arith.addf %add3A_617, %add3A_618 : vector<512x128xf32>
    %sub3A_620 = arith.subf %add3A_619, %slice3A_613 : vector<512x128xf32>
    %lt3A_621 = arith.cmpf olt, %sub3A_620, %select_n3A_609 : vector<512x128xf32>
    %select_n3A_622 = arith.select %lt3A_621, %sub3A_620, %select_n3A_609 : vector<512x128xi1>, vector<512x128xf32>
    %jit3A_623 = arith.constant 14 : i32
    %broadcast_in_dim3A_624 = vector.broadcast %jit3A_623 : i32 to vector<512x128xi32>
    %select_n3A_625 = arith.select %lt3A_621, %broadcast_in_dim3A_624, %select_n3A_612 : vector<512x128xi1>, vector<512x128xi32>
    %slice3A_626 = vector.extract_strided_slice %dot_general3A_8 {offsets = [0, 6016], sizes = [512, 128], strides = [1, 1]} : vector<512x8192xf32> to vector<512x128xf32>
    %get3A_627 = arith.constant 0 : index
    %get3A_628 = arith.constant 6016 : index
    %get3A_629 = vector.load %arg4[%get3A_627, %get3A_628] : memref<1x8192xf32, #tpu.memory_space<vmem>>, vector<1x128xf32>
    %add3A_630 = vector.broadcast %get3A_11 : vector<512x1xf32> to vector<512x128xf32>
    %add3A_631 = vector.broadcast %get3A_629 : vector<1x128xf32> to vector<512x128xf32>
    %add3A_632 = arith.addf %add3A_630, %add3A_631 : vector<512x128xf32>
    %sub3A_633 = arith.subf %add3A_632, %slice3A_626 : vector<512x128xf32>
    %lt3A_634 = arith.cmpf olt, %sub3A_633, %select_n3A_622 : vector<512x128xf32>
    %select_n3A_635 = arith.select %lt3A_634, %sub3A_633, %select_n3A_622 : vector<512x128xi1>, vector<512x128xf32>
    %jit3A_636 = arith.constant 15 : i32
    %broadcast_in_dim3A_637 = vector.broadcast %jit3A_636 : i32 to vector<512x128xi32>
    %select_n3A_638 = arith.select %lt3A_634, %broadcast_in_dim3A_637, %select_n3A_625 : vector<512x128xi1>, vector<512x128xi32>
    %slice3A_639 = vector.extract_strided_slice %dot_general3A_8 {offsets = [0, 6144], sizes = [512, 128], strides = [1, 1]} : vector<512x8192xf32> to vector<512x128xf32>
    %get3A_640 = arith.constant 0 : index
    %get3A_641 = arith.constant 6144 : index
    %get3A_642 = vector.load %arg4[%get3A_640, %get3A_641] : memref<1x8192xf32, #tpu.memory_space<vmem>>, vector<1x128xf32>
    %add3A_643 = vector.broadcast %get3A_11 : vector<512x1xf32> to vector<512x128xf32>
    %add3A_644 = vector.broadcast %get3A_642 : vector<1x128xf32> to vector<512x128xf32>
    %add3A_645 = arith.addf %add3A_643, %add3A_644 : vector<512x128xf32>
    %sub3A_646 = arith.subf %add3A_645, %slice3A_639 : vector<512x128xf32>
    %lt3A_647 = arith.cmpf olt, %sub3A_646, %select_n3A_635 : vector<512x128xf32>
    %select_n3A_648 = arith.select %lt3A_647, %sub3A_646, %select_n3A_635 : vector<512x128xi1>, vector<512x128xf32>
    %jit3A_649 = arith.constant 16 : i32
    %broadcast_in_dim3A_650 = vector.broadcast %jit3A_649 : i32 to vector<512x128xi32>
    %select_n3A_651 = arith.select %lt3A_647, %broadcast_in_dim3A_650, %select_n3A_638 : vector<512x128xi1>, vector<512x128xi32>
    %slice3A_652 = vector.extract_strided_slice %dot_general3A_8 {offsets = [0, 6272], sizes = [512, 128], strides = [1, 1]} : vector<512x8192xf32> to vector<512x128xf32>
    %get3A_653 = arith.constant 0 : index
    %get3A_654 = arith.constant 6272 : index
    %get3A_655 = vector.load %arg4[%get3A_653, %get3A_654] : memref<1x8192xf32, #tpu.memory_space<vmem>>, vector<1x128xf32>
    %add3A_656 = vector.broadcast %get3A_11 : vector<512x1xf32> to vector<512x128xf32>
    %add3A_657 = vector.broadcast %get3A_655 : vector<1x128xf32> to vector<512x128xf32>
    %add3A_658 = arith.addf %add3A_656, %add3A_657 : vector<512x128xf32>
    %sub3A_659 = arith.subf %add3A_658, %slice3A_652 : vector<512x128xf32>
    %lt3A_660 = arith.cmpf olt, %sub3A_659, %select_n3A_648 : vector<512x128xf32>
    %select_n3A_661 = arith.select %lt3A_660, %sub3A_659, %select_n3A_648 : vector<512x128xi1>, vector<512x128xf32>
    %jit3A_662 = arith.constant 17 : i32
    %broadcast_in_dim3A_663 = vector.broadcast %jit3A_662 : i32 to vector<512x128xi32>
    %select_n3A_664 = arith.select %lt3A_660, %broadcast_in_dim3A_663, %select_n3A_651 : vector<512x128xi1>, vector<512x128xi32>
    %slice3A_665 = vector.extract_strided_slice %dot_general3A_8 {offsets = [0, 6400], sizes = [512, 128], strides = [1, 1]} : vector<512x8192xf32> to vector<512x128xf32>
    %get3A_666 = arith.constant 0 : index
    %get3A_667 = arith.constant 6400 : index
    %get3A_668 = vector.load %arg4[%get3A_666, %get3A_667] : memref<1x8192xf32, #tpu.memory_space<vmem>>, vector<1x128xf32>
    %add3A_669 = vector.broadcast %get3A_11 : vector<512x1xf32> to vector<512x128xf32>
    %add3A_670 = vector.broadcast %get3A_668 : vector<1x128xf32> to vector<512x128xf32>
    %add3A_671 = arith.addf %add3A_669, %add3A_670 : vector<512x128xf32>
    %sub3A_672 = arith.subf %add3A_671, %slice3A_665 : vector<512x128xf32>
    %lt3A_673 = arith.cmpf olt, %sub3A_672, %select_n3A_661 : vector<512x128xf32>
    %select_n3A_674 = arith.select %lt3A_673, %sub3A_672, %select_n3A_661 : vector<512x128xi1>, vector<512x128xf32>
    %jit3A_675 = arith.constant 18 : i32
    %broadcast_in_dim3A_676 = vector.broadcast %jit3A_675 : i32 to vector<512x128xi32>
    %select_n3A_677 = arith.select %lt3A_673, %broadcast_in_dim3A_676, %select_n3A_664 : vector<512x128xi1>, vector<512x128xi32>
    %slice3A_678 = vector.extract_strided_slice %dot_general3A_8 {offsets = [0, 6528], sizes = [512, 128], strides = [1, 1]} : vector<512x8192xf32> to vector<512x128xf32>
    %get3A_679 = arith.constant 0 : index
    %get3A_680 = arith.constant 6528 : index
    %get3A_681 = vector.load %arg4[%get3A_679, %get3A_680] : memref<1x8192xf32, #tpu.memory_space<vmem>>, vector<1x128xf32>
    %add3A_682 = vector.broadcast %get3A_11 : vector<512x1xf32> to vector<512x128xf32>
    %add3A_683 = vector.broadcast %get3A_681 : vector<1x128xf32> to vector<512x128xf32>
    %add3A_684 = arith.addf %add3A_682, %add3A_683 : vector<512x128xf32>
    %sub3A_685 = arith.subf %add3A_684, %slice3A_678 : vector<512x128xf32>
    %lt3A_686 = arith.cmpf olt, %sub3A_685, %select_n3A_674 : vector<512x128xf32>
    %select_n3A_687 = arith.select %lt3A_686, %sub3A_685, %select_n3A_674 : vector<512x128xi1>, vector<512x128xf32>
    %jit3A_688 = arith.constant 19 : i32
    %broadcast_in_dim3A_689 = vector.broadcast %jit3A_688 : i32 to vector<512x128xi32>
    %select_n3A_690 = arith.select %lt3A_686, %broadcast_in_dim3A_689, %select_n3A_677 : vector<512x128xi1>, vector<512x128xi32>
    %slice3A_691 = vector.extract_strided_slice %dot_general3A_8 {offsets = [0, 6656], sizes = [512, 128], strides = [1, 1]} : vector<512x8192xf32> to vector<512x128xf32>
    %get3A_692 = arith.constant 0 : index
    %get3A_693 = arith.constant 6656 : index
    %get3A_694 = vector.load %arg4[%get3A_692, %get3A_693] : memref<1x8192xf32, #tpu.memory_space<vmem>>, vector<1x128xf32>
    %add3A_695 = vector.broadcast %get3A_11 : vector<512x1xf32> to vector<512x128xf32>
    %add3A_696 = vector.broadcast %get3A_694 : vector<1x128xf32> to vector<512x128xf32>
    %add3A_697 = arith.addf %add3A_695, %add3A_696 : vector<512x128xf32>
    %sub3A_698 = arith.subf %add3A_697, %slice3A_691 : vector<512x128xf32>
    %lt3A_699 = arith.cmpf olt, %sub3A_698, %select_n3A_687 : vector<512x128xf32>
    %select_n3A_700 = arith.select %lt3A_699, %sub3A_698, %select_n3A_687 : vector<512x128xi1>, vector<512x128xf32>
    %jit3A_701 = arith.constant 20 : i32
    %broadcast_in_dim3A_702 = vector.broadcast %jit3A_701 : i32 to vector<512x128xi32>
    %select_n3A_703 = arith.select %lt3A_699, %broadcast_in_dim3A_702, %select_n3A_690 : vector<512x128xi1>, vector<512x128xi32>
    %slice3A_704 = vector.extract_strided_slice %dot_general3A_8 {offsets = [0, 6784], sizes = [512, 128], strides = [1, 1]} : vector<512x8192xf32> to vector<512x128xf32>
    %get3A_705 = arith.constant 0 : index
    %get3A_706 = arith.constant 6784 : index
    %get3A_707 = vector.load %arg4[%get3A_705, %get3A_706] : memref<1x8192xf32, #tpu.memory_space<vmem>>, vector<1x128xf32>
    %add3A_708 = vector.broadcast %get3A_11 : vector<512x1xf32> to vector<512x128xf32>
    %add3A_709 = vector.broadcast %get3A_707 : vector<1x128xf32> to vector<512x128xf32>
    %add3A_710 = arith.addf %add3A_708, %add3A_709 : vector<512x128xf32>
    %sub3A_711 = arith.subf %add3A_710, %slice3A_704 : vector<512x128xf32>
    %lt3A_712 = arith.cmpf olt, %sub3A_711, %select_n3A_700 : vector<512x128xf32>
    %select_n3A_713 = arith.select %lt3A_712, %sub3A_711, %select_n3A_700 : vector<512x128xi1>, vector<512x128xf32>
    %jit3A_714 = arith.constant 21 : i32
    %broadcast_in_dim3A_715 = vector.broadcast %jit3A_714 : i32 to vector<512x128xi32>
    %select_n3A_716 = arith.select %lt3A_712, %broadcast_in_dim3A_715, %select_n3A_703 : vector<512x128xi1>, vector<512x128xi32>
    %slice3A_717 = vector.extract_strided_slice %dot_general3A_8 {offsets = [0, 6912], sizes = [512, 128], strides = [1, 1]} : vector<512x8192xf32> to vector<512x128xf32>
    %get3A_718 = arith.constant 0 : index
    %get3A_719 = arith.constant 6912 : index
    %get3A_720 = vector.load %arg4[%get3A_718, %get3A_719] : memref<1x8192xf32, #tpu.memory_space<vmem>>, vector<1x128xf32>
    %add3A_721 = vector.broadcast %get3A_11 : vector<512x1xf32> to vector<512x128xf32>
    %add3A_722 = vector.broadcast %get3A_720 : vector<1x128xf32> to vector<512x128xf32>
    %add3A_723 = arith.addf %add3A_721, %add3A_722 : vector<512x128xf32>
    %sub3A_724 = arith.subf %add3A_723, %slice3A_717 : vector<512x128xf32>
    %lt3A_725 = arith.cmpf olt, %sub3A_724, %select_n3A_713 : vector<512x128xf32>
    %select_n3A_726 = arith.select %lt3A_725, %sub3A_724, %select_n3A_713 : vector<512x128xi1>, vector<512x128xf32>
    %jit3A_727 = arith.constant 22 : i32
    %broadcast_in_dim3A_728 = vector.broadcast %jit3A_727 : i32 to vector<512x128xi32>
    %select_n3A_729 = arith.select %lt3A_725, %broadcast_in_dim3A_728, %select_n3A_716 : vector<512x128xi1>, vector<512x128xi32>
    %slice3A_730 = vector.extract_strided_slice %dot_general3A_8 {offsets = [0, 7040], sizes = [512, 128], strides = [1, 1]} : vector<512x8192xf32> to vector<512x128xf32>
    %get3A_731 = arith.constant 0 : index
    %get3A_732 = arith.constant 7040 : index
    %get3A_733 = vector.load %arg4[%get3A_731, %get3A_732] : memref<1x8192xf32, #tpu.memory_space<vmem>>, vector<1x128xf32>
    %add3A_734 = vector.broadcast %get3A_11 : vector<512x1xf32> to vector<512x128xf32>
    %add3A_735 = vector.broadcast %get3A_733 : vector<1x128xf32> to vector<512x128xf32>
    %add3A_736 = arith.addf %add3A_734, %add3A_735 : vector<512x128xf32>
    %sub3A_737 = arith.subf %add3A_736, %slice3A_730 : vector<512x128xf32>
    %lt3A_738 = arith.cmpf olt, %sub3A_737, %select_n3A_726 : vector<512x128xf32>
    %select_n3A_739 = arith.select %lt3A_738, %sub3A_737, %select_n3A_726 : vector<512x128xi1>, vector<512x128xf32>
    %jit3A_740 = arith.constant 23 : i32
    %broadcast_in_dim3A_741 = vector.broadcast %jit3A_740 : i32 to vector<512x128xi32>
    %select_n3A_742 = arith.select %lt3A_738, %broadcast_in_dim3A_741, %select_n3A_729 : vector<512x128xi1>, vector<512x128xi32>
    %slice3A_743 = vector.extract_strided_slice %dot_general3A_8 {offsets = [0, 7168], sizes = [512, 128], strides = [1, 1]} : vector<512x8192xf32> to vector<512x128xf32>
    %get3A_744 = arith.constant 0 : index
    %get3A_745 = arith.constant 7168 : index
    %get3A_746 = vector.load %arg4[%get3A_744, %get3A_745] : memref<1x8192xf32, #tpu.memory_space<vmem>>, vector<1x128xf32>
    %add3A_747 = vector.broadcast %get3A_11 : vector<512x1xf32> to vector<512x128xf32>
    %add3A_748 = vector.broadcast %get3A_746 : vector<1x128xf32> to vector<512x128xf32>
    %add3A_749 = arith.addf %add3A_747, %add3A_748 : vector<512x128xf32>
    %sub3A_750 = arith.subf %add3A_749, %slice3A_743 : vector<512x128xf32>
    %lt3A_751 = arith.cmpf olt, %sub3A_750, %select_n3A_739 : vector<512x128xf32>
    %select_n3A_752 = arith.select %lt3A_751, %sub3A_750, %select_n3A_739 : vector<512x128xi1>, vector<512x128xf32>
    %jit3A_753 = arith.constant 24 : i32
    %broadcast_in_dim3A_754 = vector.broadcast %jit3A_753 : i32 to vector<512x128xi32>
    %select_n3A_755 = arith.select %lt3A_751, %broadcast_in_dim3A_754, %select_n3A_742 : vector<512x128xi1>, vector<512x128xi32>
    %slice3A_756 = vector.extract_strided_slice %dot_general3A_8 {offsets = [0, 7296], sizes = [512, 128], strides = [1, 1]} : vector<512x8192xf32> to vector<512x128xf32>
    %get3A_757 = arith.constant 0 : index
    %get3A_758 = arith.constant 7296 : index
    %get3A_759 = vector.load %arg4[%get3A_757, %get3A_758] : memref<1x8192xf32, #tpu.memory_space<vmem>>, vector<1x128xf32>
    %add3A_760 = vector.broadcast %get3A_11 : vector<512x1xf32> to vector<512x128xf32>
    %add3A_761 = vector.broadcast %get3A_759 : vector<1x128xf32> to vector<512x128xf32>
    %add3A_762 = arith.addf %add3A_760, %add3A_761 : vector<512x128xf32>
    %sub3A_763 = arith.subf %add3A_762, %slice3A_756 : vector<512x128xf32>
    %lt3A_764 = arith.cmpf olt, %sub3A_763, %select_n3A_752 : vector<512x128xf32>
    %select_n3A_765 = arith.select %lt3A_764, %sub3A_763, %select_n3A_752 : vector<512x128xi1>, vector<512x128xf32>
    %jit3A_766 = arith.constant 25 : i32
    %broadcast_in_dim3A_767 = vector.broadcast %jit3A_766 : i32 to vector<512x128xi32>
    %select_n3A_768 = arith.select %lt3A_764, %broadcast_in_dim3A_767, %select_n3A_755 : vector<512x128xi1>, vector<512x128xi32>
    %slice3A_769 = vector.extract_strided_slice %dot_general3A_8 {offsets = [0, 7424], sizes = [512, 128], strides = [1, 1]} : vector<512x8192xf32> to vector<512x128xf32>
    %get3A_770 = arith.constant 0 : index
    %get3A_771 = arith.constant 7424 : index
    %get3A_772 = vector.load %arg4[%get3A_770, %get3A_771] : memref<1x8192xf32, #tpu.memory_space<vmem>>, vector<1x128xf32>
    %add3A_773 = vector.broadcast %get3A_11 : vector<512x1xf32> to vector<512x128xf32>
    %add3A_774 = vector.broadcast %get3A_772 : vector<1x128xf32> to vector<512x128xf32>
    %add3A_775 = arith.addf %add3A_773, %add3A_774 : vector<512x128xf32>
    %sub3A_776 = arith.subf %add3A_775, %slice3A_769 : vector<512x128xf32>
    %lt3A_777 = arith.cmpf olt, %sub3A_776, %select_n3A_765 : vector<512x128xf32>
    %select_n3A_778 = arith.select %lt3A_777, %sub3A_776, %select_n3A_765 : vector<512x128xi1>, vector<512x128xf32>
    %jit3A_779 = arith.constant 26 : i32
    %broadcast_in_dim3A_780 = vector.broadcast %jit3A_779 : i32 to vector<512x128xi32>
    %select_n3A_781 = arith.select %lt3A_777, %broadcast_in_dim3A_780, %select_n3A_768 : vector<512x128xi1>, vector<512x128xi32>
    %slice3A_782 = vector.extract_strided_slice %dot_general3A_8 {offsets = [0, 7552], sizes = [512, 128], strides = [1, 1]} : vector<512x8192xf32> to vector<512x128xf32>
    %get3A_783 = arith.constant 0 : index
    %get3A_784 = arith.constant 7552 : index
    %get3A_785 = vector.load %arg4[%get3A_783, %get3A_784] : memref<1x8192xf32, #tpu.memory_space<vmem>>, vector<1x128xf32>
    %add3A_786 = vector.broadcast %get3A_11 : vector<512x1xf32> to vector<512x128xf32>
    %add3A_787 = vector.broadcast %get3A_785 : vector<1x128xf32> to vector<512x128xf32>
    %add3A_788 = arith.addf %add3A_786, %add3A_787 : vector<512x128xf32>
    %sub3A_789 = arith.subf %add3A_788, %slice3A_782 : vector<512x128xf32>
    %lt3A_790 = arith.cmpf olt, %sub3A_789, %select_n3A_778 : vector<512x128xf32>
    %select_n3A_791 = arith.select %lt3A_790, %sub3A_789, %select_n3A_778 : vector<512x128xi1>, vector<512x128xf32>
    %jit3A_792 = arith.constant 27 : i32
    %broadcast_in_dim3A_793 = vector.broadcast %jit3A_792 : i32 to vector<512x128xi32>
    %select_n3A_794 = arith.select %lt3A_790, %broadcast_in_dim3A_793, %select_n3A_781 : vector<512x128xi1>, vector<512x128xi32>
    %slice3A_795 = vector.extract_strided_slice %dot_general3A_8 {offsets = [0, 7680], sizes = [512, 128], strides = [1, 1]} : vector<512x8192xf32> to vector<512x128xf32>
    %get3A_796 = arith.constant 0 : index
    %get3A_797 = arith.constant 7680 : index
    %get3A_798 = vector.load %arg4[%get3A_796, %get3A_797] : memref<1x8192xf32, #tpu.memory_space<vmem>>, vector<1x128xf32>
    %add3A_799 = vector.broadcast %get3A_11 : vector<512x1xf32> to vector<512x128xf32>
    %add3A_800 = vector.broadcast %get3A_798 : vector<1x128xf32> to vector<512x128xf32>
    %add3A_801 = arith.addf %add3A_799, %add3A_800 : vector<512x128xf32>
    %sub3A_802 = arith.subf %add3A_801, %slice3A_795 : vector<512x128xf32>
    %lt3A_803 = arith.cmpf olt, %sub3A_802, %select_n3A_791 : vector<512x128xf32>
    %select_n3A_804 = arith.select %lt3A_803, %sub3A_802, %select_n3A_791 : vector<512x128xi1>, vector<512x128xf32>
    %jit3A_805 = arith.constant 28 : i32
    %broadcast_in_dim3A_806 = vector.broadcast %jit3A_805 : i32 to vector<512x128xi32>
    %select_n3A_807 = arith.select %lt3A_803, %broadcast_in_dim3A_806, %select_n3A_794 : vector<512x128xi1>, vector<512x128xi32>
    %slice3A_808 = vector.extract_strided_slice %dot_general3A_8 {offsets = [0, 7808], sizes = [512, 128], strides = [1, 1]} : vector<512x8192xf32> to vector<512x128xf32>
    %get3A_809 = arith.constant 0 : index
    %get3A_810 = arith.constant 7808 : index
    %get3A_811 = vector.load %arg4[%get3A_809, %get3A_810] : memref<1x8192xf32, #tpu.memory_space<vmem>>, vector<1x128xf32>
    %add3A_812 = vector.broadcast %get3A_11 : vector<512x1xf32> to vector<512x128xf32>
    %add3A_813 = vector.broadcast %get3A_811 : vector<1x128xf32> to vector<512x128xf32>
    %add3A_814 = arith.addf %add3A_812, %add3A_813 : vector<512x128xf32>
    %sub3A_815 = arith.subf %add3A_814, %slice3A_808 : vector<512x128xf32>
    %lt3A_816 = arith.cmpf olt, %sub3A_815, %select_n3A_804 : vector<512x128xf32>
    %select_n3A_817 = arith.select %lt3A_816, %sub3A_815, %select_n3A_804 : vector<512x128xi1>, vector<512x128xf32>
    %jit3A_818 = arith.constant 29 : i32
    %broadcast_in_dim3A_819 = vector.broadcast %jit3A_818 : i32 to vector<512x128xi32>
    %select_n3A_820 = arith.select %lt3A_816, %broadcast_in_dim3A_819, %select_n3A_807 : vector<512x128xi1>, vector<512x128xi32>
    %slice3A_821 = vector.extract_strided_slice %dot_general3A_8 {offsets = [0, 7936], sizes = [512, 128], strides = [1, 1]} : vector<512x8192xf32> to vector<512x128xf32>
    %get3A_822 = arith.constant 0 : index
    %get3A_823 = arith.constant 7936 : index
    %get3A_824 = vector.load %arg4[%get3A_822, %get3A_823] : memref<1x8192xf32, #tpu.memory_space<vmem>>, vector<1x128xf32>
    %add3A_825 = vector.broadcast %get3A_11 : vector<512x1xf32> to vector<512x128xf32>
    %add3A_826 = vector.broadcast %get3A_824 : vector<1x128xf32> to vector<512x128xf32>
    %add3A_827 = arith.addf %add3A_825, %add3A_826 : vector<512x128xf32>
    %sub3A_828 = arith.subf %add3A_827, %slice3A_821 : vector<512x128xf32>
    %lt3A_829 = arith.cmpf olt, %sub3A_828, %select_n3A_817 : vector<512x128xf32>
    %select_n3A_830 = arith.select %lt3A_829, %sub3A_828, %select_n3A_817 : vector<512x128xi1>, vector<512x128xf32>
    %jit3A_831 = arith.constant 30 : i32
    %broadcast_in_dim3A_832 = vector.broadcast %jit3A_831 : i32 to vector<512x128xi32>
    %select_n3A_833 = arith.select %lt3A_829, %broadcast_in_dim3A_832, %select_n3A_820 : vector<512x128xi1>, vector<512x128xi32>
    %slice3A_834 = vector.extract_strided_slice %dot_general3A_8 {offsets = [0, 8064], sizes = [512, 128], strides = [1, 1]} : vector<512x8192xf32> to vector<512x128xf32>
    %get3A_835 = arith.constant 0 : index
    %get3A_836 = arith.constant 8064 : index
    %get3A_837 = vector.load %arg4[%get3A_835, %get3A_836] : memref<1x8192xf32, #tpu.memory_space<vmem>>, vector<1x128xf32>
    %add3A_838 = vector.broadcast %get3A_11 : vector<512x1xf32> to vector<512x128xf32>
    %add3A_839 = vector.broadcast %get3A_837 : vector<1x128xf32> to vector<512x128xf32>
    %add3A_840 = arith.addf %add3A_838, %add3A_839 : vector<512x128xf32>
    %sub3A_841 = arith.subf %add3A_840, %slice3A_834 : vector<512x128xf32>
    %lt3A_842 = arith.cmpf olt, %sub3A_841, %select_n3A_830 : vector<512x128xf32>
    %select_n3A_843 = arith.select %lt3A_842, %sub3A_841, %select_n3A_830 : vector<512x128xi1>, vector<512x128xf32>
    %jit3A_844 = arith.constant 31 : i32
    %broadcast_in_dim3A_845 = vector.broadcast %jit3A_844 : i32 to vector<512x128xi32>
    %select_n3A_846 = arith.select %lt3A_842, %broadcast_in_dim3A_845, %select_n3A_833 : vector<512x128xi1>, vector<512x128xi32>
    %reduce_min3A_847 = arith.constant dense<0x7F800000> : vector<512xf32>
    %reduce_min3A_848 = vector.multi_reduction <minimumf>, %select_n3A_843, %reduce_min3A_847 [1] : vector<512x128xf32> to vector<512xf32>
    %broadcast_in_dim3A_849 = vector.shape_cast %reduce_min3A_848 : vector<512xf32> to vector<512x1xf32>
    %iota3A_850 = tpu.iota {dimensions = array<i32: 1>} : vector<512x128xi32>
    %mul3A_851 = arith.constant 128 : i32
    %mul3A_852 = vector.broadcast %mul3A_851 : i32 to vector<512x128xi32>
    %mul3A_853 = arith.muli %select_n3A_846, %mul3A_852 : vector<512x128xi32>
    %add3A_854 = arith.addi %mul3A_853, %iota3A_850 : vector<512x128xi32>
    %add3A_855 = arith.constant 4096 : i32
    %add3A_856 = vector.broadcast %add3A_855 : i32 to vector<512x128xi32>
    %add3A_857 = arith.addi %add3A_854, %add3A_856 : vector<512x128xi32>
    %eq3A_858 = vector.broadcast %broadcast_in_dim3A_849 : vector<512x1xf32> to vector<512x128xf32>
    %eq3A_859 = arith.cmpf oeq, %select_n3A_843, %eq3A_858 : vector<512x128xf32>
    %jit3A_860 = arith.constant 8192 : i32
    %broadcast_in_dim3A_861 = vector.broadcast %jit3A_860 : i32 to vector<512x128xi32>
    %select_n3A_862 = arith.select %eq3A_859, %add3A_857, %broadcast_in_dim3A_861 : vector<512x128xi1>, vector<512x128xi32>
    %reduce_min3A_863 = arith.constant dense<2147483647> : vector<512xi32>
    %reduce_min3A_864 = vector.multi_reduction <minsi>, %select_n3A_862, %reduce_min3A_863 [1] : vector<512x128xi32> to vector<512xi32>
    %broadcast_in_dim3A_865 = vector.shape_cast %reduce_min3A_864 : vector<512xi32> to vector<512x1xi32>
    %bitcast_convert_type3A = tpu.bitcast %broadcast_in_dim3A_420 : vector<512x1xf32> -> vector<512x1xi32>
    %shift_right_logical3A = arith.constant 16 : i32
    %shift_right_logical3A_866 = vector.broadcast %shift_right_logical3A : i32 to vector<512x1xi32>
    %shift_right_logical3A_867 = arith.shrui %bitcast_convert_type3A, %shift_right_logical3A_866 : vector<512x1xi32>
    %and3A = arith.constant 1 : i32
    %and3A_868 = vector.broadcast %and3A : i32 to vector<512x1xi32>
    %and3A_869 = arith.andi %shift_right_logical3A_867, %and3A_868 : vector<512x1xi32>
    %add3A_870 = arith.constant 32767 : i32
    %add3A_871 = vector.broadcast %add3A_870 : i32 to vector<512x1xi32>
    %add3A_872 = arith.addi %and3A_869, %add3A_871 : vector<512x1xi32>
    %add3A_873 = arith.addi %bitcast_convert_type3A, %add3A_872 : vector<512x1xi32>
    %and3A_874 = arith.constant -65536 : i32
    %and3A_875 = vector.broadcast %and3A_874 : i32 to vector<512x1xi32>
    %and3A_876 = arith.andi %add3A_873, %and3A_875 : vector<512x1xi32>
    %bitcast_convert_type3A_877 = tpu.bitcast %and3A_876 : vector<512x1xi32> -> vector<512x1xf32>
    %lt3A_878 = arith.cmpf olt, %broadcast_in_dim3A_849, %bitcast_convert_type3A_877 : vector<512x1xf32>
    %select_n3A_879 = arith.select %lt3A_878, %broadcast_in_dim3A_865, %broadcast_in_dim3A_433 : vector<512x1xi1>, vector<512x1xi32>
    %select_n3A_880 = arith.select %lt3A_878, %broadcast_in_dim3A_849, %broadcast_in_dim3A_420 : vector<512x1xi1>, vector<512x1xf32>
    %reshape3A = vector.shape_cast %select_n3A_879 : vector<512x1xi32> to vector<1x1x512xi32>
    %swap3A = arith.constant 0 : index
    %swap3A_881 = arith.constant 0 : index
    %swap3A_882 = arith.constant 0 : index
    %swap3A_883 = vector.load %arg5[%swap3A, %swap3A_881, %swap3A_882] : memref<1x1x512xi32, #tpu.memory_space<vmem>>, vector<1x1x512xi32>
    tpu.vector_store %arg5[%swap3A, %swap3A_881, %swap3A_882], %reshape3A {strides = array<i32>} : memref<1x1x512xi32, #tpu.memory_space<vmem>>, vector<1x1x512xi32>,
    %reduce_sum3A = vector.shape_cast %select_n3A_880 : vector<512x1xf32> to vector<1x512x1xf32>
    %reduce_sum3A_884 = arith.constant dense<0.000000e+00> : vector<1xf32>
    %reduce_sum3A_885 = vector.multi_reduction <add>, %reduce_sum3A, %reduce_sum3A_884 [1, 2] : vector<1x512x1xf32> to vector<1xf32>
    %reduce_sum3A_886 = vector.shape_cast %reduce_sum3A_885 : vector<1xf32> to vector<1x1x1xf32>
    %reduce_sum3A_887 = vector.extract %reduce_sum3A_886[0, 0, 0] : f32 from vector<1x1x1xf32>
    %eq3A_888 = arith.constant 0 : i32
    %eq3A_889 = arith.cmpi eq, %arg0, %eq3A_888 : i32
    %convert_element_type3A = arith.extui %eq3A_889 : i1 to i32
    %cond3A = arith.constant 0 : i32
    %cond3A_890 = arith.cmpi ne, %convert_element_type3A, %cond3A : i32
    scf.if %cond3A_890 {
      %swap3A_898 = arith.constant 0.000000e+00 : f32
      %swap3A_899 = arith.constant 0 : index
      %swap3A_900 = arith.constant 0 : index
      %swap3A_901 = memref.load %arg6[%swap3A_899, %swap3A_900] : memref<1x1xf32, #tpu.memory_space<smem>>
      memref.store %swap3A_898, %arg6[%swap3A_899, %swap3A_900] : memref<1x1xf32, #tpu.memory_space<smem>>
    } else {
    }
    %get3A_891 = arith.constant 0 : index
    %get3A_892 = arith.constant 0 : index
    %get3A_893 = memref.load %arg6[%get3A_891, %get3A_892] : memref<1x1xf32, #tpu.memory_space<smem>>
    %add3A_894 = arith.addf %get3A_893, %reduce_sum3A_887 : f32
    %swap3A_895 = arith.constant 0 : index
    %swap3A_896 = arith.constant 0 : index
    %swap3A_897 = memref.load %arg6[%swap3A_895, %swap3A_896] : memref<1x1xf32, #tpu.memory_space<smem>>
    memref.store %add3A_894, %arg6[%swap3A_895, %swap3A_896] : memref<1x1xf32, #tpu.memory_space<smem>>
    return
  }
  func.func @transform_0(%arg0: i32) -> (i32, i32) {
    %c0_i32 = arith.constant 0 : i32
    %c0_i32_0 = arith.constant 0 : i32
    return %arg0, %c0_i32 : i32, i32
  }
  func.func @transform_1(%arg0: i32) -> (i32, i32) {
    %c0_i32 = arith.constant 0 : i32
    %c0_i32_0 = arith.constant 0 : i32
    %c0_i32_1 = arith.constant 0 : i32
    return %c0_i32, %c0_i32_0 : i32, i32
  }
  func.func @transform_2(%arg0: i32) -> (i32, i32) {
    %c0_i32 = arith.constant 0 : i32
    %c0_i32_0 = arith.constant 0 : i32
    return %arg0, %c0_i32 : i32, i32
  }
  func.func @transform_3(%arg0: i32) -> (i32, i32) {
    %c0_i32 = arith.constant 0 : i32
    %c0_i32_0 = arith.constant 0 : i32
    %c0_i32_1 = arith.constant 0 : i32
    return %c0_i32, %c0_i32_0 : i32, i32
  }
  func.func @transform_4(%arg0: i32) -> (i32, i32, i32) {
    %c0_i32 = arith.constant 0 : i32
    %c0_i32_0 = arith.constant 0 : i32
    %c0_i32_1 = arith.constant 0 : i32
    return %arg0, %c0_i32, %c0_i32_0 : i32, i32, i32
  }
  func.func @transform_5(%arg0: i32) -> (i32, i32) {
    %c0_i32 = arith.constant 0 : i32
    %c0_i32_0 = arith.constant 0 : i32
    %c0_i32_1 = arith.constant 0 : i32
    return %c0_i32, %c0_i32_0 : i32, i32
  }
}

</mosaic_0001>

<sc_bundles>
// kernel: kernel.4.cloned.1.call-start
scs
__scs_entry_jumppad:
0x0: {  	(pc) =	sbr.rel $0x88, $3  }
0x1: {  	(tag) =	ssettag $0x0;
	lr =	simm.s32 $0x1  }
0x2: {  	[smem:$0x3F9F] =	sst lr;
	_ =	strace $0xD0000000  }
0x3: {  	_ = 	snop  }
0x4: {  	_ = 	snop  }
0x5: {  	_ = 	snop  }
0x6: {  	_ = 	snop  }
0x7: {  	_ = 	snop  }
__scs_overlays_trampoline_lowered:
0x8: {  	[smem:$0x3FAE] =	sst s0  }
0x9: {  	[smem:$0x3FAF] =	sst s1  }
0xa: {  	[smem:$0x3FB0] =	sst s2  }
0xb: {  	[smem:$0x3FB1] =	sst s3  }
0xc: {  	[smem:$0x3FB2] =	sst s4  }
0xd: {  	[smem:$0x3FB3] =	sst s5  }
0xe: {  	[smem:$0x3FB4] =	sst s6  }
0xf: {  	[smem:$0x3FB5] =	sst s7  }
0x10: {  	[smem:$0x3FB6] =	sst s8  }
0x11: {  	[smem:$0x3FB7] =	sst s9;
	s0 =	simm.s32 @!p0 $0x0  }
0x12: {  	s1 =	sld [smem:$0x3F9D];
	s0 =	simm.s32 @p0 $0x1  }
0x13: {  	[smem:$0x3FB8] =	sst s0;
	s0 =	simm.s32 @!p1 $0x0  }
0x14: {  	s2 =	sld [smem:$0x3F9C];
	s0 =	simm.s32 @p1 $0x1  }
0x15: {  	[smem:$0x3FB9] =	sst s0;
	s0 =	simm.s32 @!p2 $0x0  }
0x16: {  	s3 =	sld [smem:$0x3FDB];
	s0 =	simm.s32 @p2 $0x1  }
0x17: {  	s4 =	simm.s32 $0x1BF5;
	[smem:$0x3FBB] =	sst s0  }
0x18: {  	s0 =	sld [smem:$0x3F9E];
	_ =	swait.ge [sflag:s4], $0x0  }
0x19: {  	s7 =	sld [smem:$0x3F9F]  }
0x1a: {  	s8 =	sadd.s32 $0xFFFFE003, lr  }
0x1b: {  	s9 =	sadd.s32 $0xFFFFFEF7, lr;
	s5 =	simm.s32 $0xFFFFFFFF;
	p2 =	slt.u32 s8, $0xFFFFF086  }
0x1c: {  	p1 =	slt.u32 s9, $0xF7A;
	s5 =	simm.s32 @!p2 $0x0  }
0x1d: {  	s5 =	simm.s32 @p1 $0x1;
	p0 =	seq.s32 s7, s2  }
0x1e: {  	s7 =	smul.u32 @!p0 $0xF7A, s2;
	p2 =	seq.s32 @!p0 s5, $0x0  }
0x1f: {  	s9 =	smul.u32 $0xF7A, s1;
	s8 =	simm.s32 @!p0 $0x1BF5;
	p2 =	por !p2, p0  }
0x20: {  	[sflag:s8] =	ssyncset.s32 @!p0 $0xFFFFF086;
	s6 =	sadd.s32 @!p0 s3, s7;
	s7 =	simm.s32 @!p0 $0x108  }
0x21: {  	s3 =	sadd.s32 s3, s9;
	s6 =	sadd.s32 @!p0 $0x88, s6;
	s7 =	simm.s32 @p2 $0x1082  }
0x22: {  	[simem:s7], [sflag:s8] =	dma.local @!p0 [hbm:s6], $0xF7A  }
0x23: {  	s9 =	sor.u32 $0xD0000000, s2;
	s6 =	simm.s32 $0x108;
	_ =	swait.ge @!p0 [sflag:s8], $0x0  }
0x24: {  	s3 =	sadd.s32 $0x88, s3;
	s6 =	simm.s32 @!p1 $0x1082;
	[sflag:s4] =	ssyncset.s32 $0xFFFFF086  }
0x25: {  	[simem:s6], [sflag:s4] =	dma.local [hbm:s3], $0xF7A  }
0x26: {  	[smem:$0x3F9F] =	sst s1;
	(tag) =	ssettag s2;
	_ =	strace s9  }
0x27: {  	s1 =	sld [smem:$0x3FAF]  }
0x28: {  	s2 =	sld [smem:$0x3FB0]  }
0x29: {  	s4 =	sld [smem:$0x3FB2]  }
0x2a: {  	p0 =	seq.s32 s5, $0x0;
	s5 =	sld [smem:$0x3FB3]  }
0x2b: {  	s6 =	sld [smem:$0x3FB4]  }
0x2c: {  	s7 =	sld [smem:$0x3FB5]  }
0x2d: {  	s3 =	simm.s32 $0x108;
	s8 =	sld [smem:$0x3FB6]  }
0x2e: {  	s3 =	simm.s32 @!p0 $0x1082;
	s9 =	sld [smem:$0x3FB7]  }
0x2f: {  	lr =	sadd.s32 s0, s3;
	s0 =	sld [smem:$0x3FAE]  }
0x30: {  	s3 =	sld [smem:$0x3FB1]  }
0x31: {  	[smem:$0x3FBA] =	sst s10  }
0x32: {  	s10 =	sld [smem:$0x3FB8];
	_ =	sdelay $0x3  }
0x33: {  	p0 =	seq.s32 s10, $0x1;
	s10 =	sld [smem:$0x3FBA];
	_ =	sdelay $0x3  }
0x34: {  	[smem:$0x3FBA] =	sst s10  }
0x35: {  	s10 =	sld [smem:$0x3FB9];
	_ =	sdelay $0x3  }
0x36: {  	p1 =	seq.s32 s10, $0x1;
	s10 =	sld [smem:$0x3FBA];
	_ =	sdelay $0x3  }
0x37: {  	[smem:$0x3FBA] =	sst s10  }
0x38: {  	s10 =	sld [smem:$0x3FBB]  }
0x39: {  	_ = 	snop;
	(pc) =	sbr.ind lr, $3  }
0x3a: {  	_ = 	snop  }
0x3b: {  	_ = 	snop  }
0x3c: {  	p2 =	seq.s32 s10, $0x1;
	s10 =	sld [smem:$0x3FBA]  }
0x3d: {  	_ =	shalt  }
0x3e: {  	_ =	shalt  }
0x3f: {  	_ =	shalt  }
0x40: {  	_ =	shalt  }
0x41: {  	_ =	shalt  }
0x42: {  	_ =	shalt  }
0x43: {  	_ =	shalt  }
0x44: {  	_ =	shalt  }
0x45: {  	_ =	shalt  }
0x46: {  	_ =	shalt  }
0x47: {  	_ =	shalt  }
0x48: {  	_ =	shalt  }
0x49: {  	_ =	shalt  }
0x4a: {  	_ =	shalt  }
0x4b: {  	_ =	shalt  }
0x4c: {  	_ =	shalt  }
0x4d: {  	_ =	shalt  }
0x4e: {  	_ =	shalt  }
0x4f: {  	_ =	shalt  }
0x50: {  	_ =	shalt  }
0x51: {  	_ =	shalt  }
0x52: {  	_ =	shalt  }
0x53: {  	_ =	shalt  }
0x54: {  	_ =	shalt  }
0x55: {  	_ =	shalt  }
0x56: {  	_ =	shalt  }
0x57: {  	_ =	shalt  }
0x58: {  	_ =	shalt  }
0x59: {  	_ =	shalt  }
0x5a: {  	_ =	shalt  }
0x5b: {  	_ =	shalt  }
0x5c: {  	_ =	shalt  }
0x5d: {  	_ =	shalt  }
0x5e: {  	_ =	shalt  }
0x5f: {  	_ =	shalt  }
0x60: {  	_ =	shalt  }
0x61: {  	_ =	shalt  }
0x62: {  	_ =	shalt  }
0x63: {  	_ =	shalt  }
0x64: {  	_ =	shalt  }
0x65: {  	_ =	shalt  }
0x66: {  	_ =	shalt  }
0x67: {  	_ =	shalt  }
0x68: {  	_ =	shalt  }
0x69: {  	_ =	shalt  }
0x6a: {  	_ =	shalt  }
0x6b: {  	_ =	shalt  }
0x6c: {  	_ =	shalt  }
0x6d: {  	_ =	shalt  }
0x6e: {  	_ =	shalt  }
0x6f: {  	_ =	shalt  }
0x70: {  	_ =	shalt  }
0x71: {  	_ =	shalt  }
0x72: {  	_ =	shalt  }
0x73: {  	_ =	shalt  }
0x74: {  	_ =	shalt  }
0x75: {  	_ =	shalt  }
0x76: {  	_ =	shalt  }
0x77: {  	_ =	shalt  }
0x78: {  	_ =	shalt  }
0x79: {  	_ =	shalt  }
0x7a: {  	_ =	shalt  }
0x7b: {  	_ =	shalt  }
0x7c: {  	_ =	shalt  }
0x7d: {  	_ =	shalt  }
0x7e: {  	_ =	shalt  }
0x7f: {  	_ =	shalt  }
0x80: {  	_ =	shalt  }
0x81: {  	_ =	shalt  }
0x82: {  	_ =	shalt  }
0x83: {  	_ =	shalt  }
0x84: {  	_ =	shalt  }
0x85: {  	_ =	shalt  }
0x86: {  	_ =	shalt  }
0x87: {  	_ =	shalt  }
.Lfunc_end0:
.L_simem_size_0:
called_computation_lowered:
.L_overlay_start_0:
0x88: {  	s2 =	sld [smem:$0x3FD9]  }
0x89: {  	s3 =	sld [smem:$0x3FFE];
	_ =	sdelay $0x1  }
0x8a: {  	s1 =	srdreg.scid  }
0x8b: {  	s0 =	sand.u32 $0x1, s1  }
0x8c: {  	s14 =	sshll.u32 s0, $0xA;
	s2 =	sadd.s32 s3, s2  }
0x8d: {  	s2 =	sadd.s32 s2, s14  }
0x8e: {  	[smem:$0x3FC6] =	sst s2  }
0x8f: {  	_ = 	snop  }
0x90: {  	s2 =	sld [smem:$0x3FD0];
	_ =	sdelay $0x2  }
0x91: {  	s15 =	simm.s32 $0xA;
	s4 =	simm.s32 $0x10  }
0x92: {  	[smem:s4], [sflag:s15] =	dma.local [hbm:s2], $0x1  }
0x93: {  	_ =	swait.eq [sflag:s15], $0x1  }
0x94: {  	[sflag:s15] =	ssyncset.done $0x0  }
0x95: {  	[sflag:s15] =	ssyncadd.s32 $0xFFFFFFFF  }
0x96: {  	s16 =	sld [smem:$0x10];
	(tm) =	ssettm $0x1  }
0x97: {  	s17 =	sld [smem:$0x3FFB];
	_ =	sdelay $0x3  }
0x98: {  	_ =	strace s17  }
0x99: {  	s3 =	sld [smem:$0x3FFC];
	_ =	sdelay $0x3  }
0x9a: {  	_ =	strace s3  }
0x9b: {  	s3 =	sld [smem:$0x3FFD];
	_ =	sdelay $0x3  }
0x9c: {  	_ =	strace s3  }
0x9d: {  	_ =	strace $0x8FFFFFFF  }
0x9e: {  	s18 =	sld [smem:$0x3FDB];
	_ =	sdelay $0x1  }
0x9f: {  	s19 =	simm.s32 $_scs_section_size  }
0xa0: {  	s5 =	simm.s32 $_size__tile_overlayer_lowered;
	s6 =	simm.s32 $_tile_overlayer_lowered  }
0xa1: {  	s22 =	simm.s32 $0x1BFF;
	s21 =	sshll.u32 s6, $0x1;
	s3 =	sadd.s32 s19, s18  }
0xa2: {  	s7 =	simm.s32 $0x0;
	s20 =	sshll.u32 s5, $0x1;
	s5 =	sadd.s32 s21, s3  }
0xa3: {  	[timem:s7], [sflag:s22] =	dma.local [hbm:s5], s20  }
0xa4: {  	_ =	swait.ge [sflag:s22], s20  }
0xa5: {  	s4 =	ssub.s32 $0x0, s20;
	[sflag:s22] =	ssyncset.done $0x0  }
0xa6: {  	[sflag:s22] =	ssyncadd.s32 s4;
	_ =	sdelay $0x1  }
0xa7: {  	s23 =	simm.s32 $0x1B8B  }
0xa8: {  	_ =	swait.ge [sflag:s23], $0x1  }
0xa9: {  	[sflag:s23] =	ssyncset.done $0x0  }
0xaa: {  	s25 =	simm.s32 $0x1B8E;
	s24 =	sld [smem:$0x3FFE];
	[sflag:s23] =	ssyncadd.s32 $0xFFFFFFFF  }
0xab: {  	s26 =	simm.s32 $execute0_lowered;
	[smem:$0x3FD2] =	sst s25  }
0xac: {  	s5 =	sshll.u32 s26, $0x1;
	_ =	strace $0x80000046;
	[dreg:$0x1] =	wrdreg $0xFFFFFFFF  }
0xad: {  	s28 =	simm.s32 $_size_execute0_lowered;
	s3 =	sadd.s32 s3, s5;
	[dreg:$0x0] =	wrdreg $0x0  }
0xae: {  	s5 =	sshll.u32 s28, $0x1;
	[dreg:$0x2] =	wrdreg s3  }
0xaf: {  	[dreg:$0x3] =	wrdreg s5  }
0xb0: {  	[dreg:$0x4] =	wrdreg $0xC0  }
0xb1: {  	_ =	task [dreg:s7], $0x5FFFF  }
0xb2: {  	[dreg:$0x1] =	wrdreg $0xFFFFFFFF  }
0xb3: {  	[dreg:$0x0] =	wrdreg $0x60  }
0xb4: {  	[dreg:$0x2] =	wrdreg s16  }
0xb5: {  	[dreg:$0x3] =	wrdreg s24  }
0xb6: {  	[dreg:$0x4] =	wrdreg $0x9  }
0xb7: {  	_ =	task.clear_ibuf [dreg:s7], $0x5FFFF;
	_ =	strace $0x90000046  }
0xb8: {  	s29 =	simm.s32 $0x9;
	_ =	strace $0x80000048  }
0xb9: {  	_ =	swait.ge [sflag:s29], $0x1  }
0xba: {  	[sflag:s29] =	ssyncadd.s32 $0xFFFFFFFF  }
0xbb: {  	_ =	strace $0x90000048  }
0xbc: {  	_ =	sfence  }
0xbd: {  	s30 =	sld [smem:$0x0];
	_ =	sdelay $0x2  }
0xbe: {  	s31 =	sshll.u32 s1, $0xD;
	s1 =	sshrl.u32 s1, $0x2  }
0xbf: {  	s3 =	sand.u32 $0x4000, s31;
	s1 =	sadd.s32 s1, s30  }
0xc0: {  	s0 =	sor.u32 s3, s0;
	s1 =	sshll.u32 s1, $0x11  }
0xc1: {  	s0 =	sor.u32 s1, s0  }
0xc2: {  	s0 =	sadd.s32 $0x8F2B, s0  }
0xc3: {  	[sflag:s0] =	ssyncadd.remote.s32 $0x1  }
0xc4: {  	_ =	sfence.sel $0xFFFF  }
0xc5: {  	[dreg:$0x0] =	wrdreg $0xFFFFFFFF;
	(pc) =	sbr.abs _section_cstart, $3  }
0xc6: {  	[dreg:$0x1] =	wrdreg $0xFFFFFFFF  }
0xc7: {  	_ =	task.clear_ibuf [dreg:s7], $0x2FFFF;
	_ =	strace $0x9FFFFFFF  }
0xc8: {  	(tm) =	ssettm $0x7FFFFFFF  }
0xc9: {  	_ =	shalt  }
tec
execute0_lowered:
.L_overlay_start_1:
0x0: {  	(tag) =	ssettag $0x1  }
0x1: {  	s1 =	srdreg.scid  }
0x2: {  	s2 =	rddreg [dreg:$0x0];
	s0 =	stileid.u32;
	s10 =	sand.u32 $0x1, s1  }
0x3: {  	s9 =	rddreg [dreg:$0x1];
	s4 =	sshll.u32 s0, $0xB;
	s5 =	sshll.u32 s10, $0xA  }
0x4: {  	s3 =	simm.s32 $0x0;
	s1 =	rddreg [dreg:$0x2];
	s11 =	sor.u32 s5, s4  }
0x5: {  	[smem:$0x7FF] =	sst s3;
	s4 =	sshrl.u32 s11, $0x3  }
0x6: {  	_ =	strace $0x80000047;
	s5 =	sadd.s32 s9, s4;
	s4 =	simm.s32 $0x2  }
0x7: {  	[tilespmem:s3], [sflag:$0x2] =	stream.linear.gather [hbm4b:s5+s3], $0x200, $0x38;
	[tilespmem:$0x10200] =	vst v63  }
0x8: {  	_ =	swait.ge [sflag:s4], $0x200  }
0x9: {  	[sflag:s4] =	ssyncset.done $0x0  }
0xa: {  	s6 =	simm.s32 $0x200;
	s7 =	simm.s32 $0x1;
	[sflag:s4] =	ssyncadd.s32 $0xFFFFFE00  }
0xb: {  	[tilespmem:s6], [sflag:$0x1] =	stream.indirect.gather [hbm4b:s2+s6], $0x80, s3, s6, $0xb8;
	[tilespmem:$0x10200] =	vst v63  }
0xc: {  	_ =	swait.ge [sflag:s7], $0x10000  }
0xd: {  	s12 =	sadd.s32 $0x1000, s9;
	s8 =	sshll.u32 s11, $0x4;
	[sflag:s7] =	ssyncset.done $0x0  }
0xe: {  	s8 =	sadd.s32 s12, s8;
	[sflag:s7] =	ssyncadd.s32 $0xFFFF0000  }
0xf: {  	[hbm4b:s8+s3] =	stream.linear.scatter [tilespmem:s6], [sflag:$0x2], $0x10000, $0x38;
	[tilespmem:$0x10200] =	vst v63  }
0x10: {  	s11 =	sor.u32 $0x200, s11;
	_ =	swait.ge [sflag:s4], $0x10000  }
0x11: {  	s13 =	sshrl.u32 s11, $0x3;
	[sflag:s4] =	ssyncset.done $0x0  }
0x12: {  	s10 =	ssub.s32 $0x2, s10;
	s9 =	sadd.s32 s9, s13;
	[sflag:s4] =	ssyncadd.s32 $0xFFFF0000  }
0x13: {  	[tilespmem:s3], [sflag:$0x2] =	stream.linear.gather [hbm4b:s9+s3], $0x200, $0x38;
	[tilespmem:$0x10200] =	vst v63  }
0x14: {  	s29 =	sshrl.u32 s10, $0x1;
	_ =	swait.ge [sflag:s4], $0x200  }
0x15: {  	s13 =	ssub.s32 s10, s29;
	[sflag:s4] =	ssyncset.done $0x0  }
0x16: {  	s31 =	smax.u32 s13, $0x1;
	[sflag:s4] =	ssyncadd.s32 $0xFFFFFE00  }
0x17: {  	[tilespmem:s6], [sflag:$0x1] =	stream.indirect.gather [hbm4b:s2+s6], $0x80, s3, s6, $0xb8;
	[tilespmem:$0x10200] =	vst v63  }
0x18: {  	p0 =	sne.s32 s31, $0x1;
	_ =	swait.ge [sflag:s7], $0x10000  }
.Ltmp0:
0x19: {  	s30 =	sshll.u32 s11, $0x4;
	[sflag:s7] =	ssyncset.done $0x0;
	(pc) =	sbr.rel @!p0 .LBB2_2-.Ltmp0, $4  }
0x1a: {  	s10 =	sadd.s32 s12, s30;
	[sflag:s7] =	ssyncadd.s32 $0xFFFF0000  }
0x1b: {  	[hbm4b:s10+s3] =	stream.linear.scatter [tilespmem:s6], [sflag:$0x2], $0x10000, $0x38;
	[tilespmem:$0x10200] =	vst v63  }
0x1c: {  	_ =	swait.ge [sflag:s4], $0x10000  }
0x1d: {  	s11 =	sadd.s32 $0xFFFFFFFF, s31;
	[sflag:s4] =	ssyncset.done $0x0  }
.LBB2_1:
0x1e: {  	p0 =	sne.s32 s11, $0x1;
	s11 =	sadd.s32 $0xFFFFFFFF, s11;
	[sflag:s4] =	ssyncadd.s32 $0xFFFF0000  }
0x1f: {  	[tilespmem:s3], [sflag:$0x2] =	stream.linear.gather [hbm4b:s5+s3], $0x200, $0x38;
	[tilespmem:$0x10200] =	vst v63  }
0x20: {  	_ =	swait.ge [sflag:s4], $0x200  }
0x21: {  	[sflag:s4] =	ssyncset.done $0x0  }
0x22: {  	[sflag:s4] =	ssyncadd.s32 $0xFFFFFE00  }
0x23: {  	[tilespmem:s6], [sflag:$0x1] =	stream.indirect.gather [hbm4b:s2+s6], $0x80, s3, s6, $0xb8;
	[tilespmem:$0x10200] =	vst v63  }
0x24: {  	_ =	swait.ge [sflag:s7], $0x10000  }
0x25: {  	[sflag:s7] =	ssyncset.done $0x0  }
0x26: {  	[sflag:s7] =	ssyncadd.s32 $0xFFFF0000  }
0x27: {  	[hbm4b:s8+s3] =	stream.linear.scatter [tilespmem:s6], [sflag:$0x2], $0x10000, $0x38;
	[tilespmem:$0x10200] =	vst v63  }
0x28: {  	_ =	swait.ge [sflag:s4], $0x10000  }
0x29: {  	[sflag:s4] =	ssyncset.done $0x0  }
0x2a: {  	[sflag:s4] =	ssyncadd.s32 $0xFFFF0000  }
0x2b: {  	[tilespmem:s3], [sflag:$0x2] =	stream.linear.gather [hbm4b:s9+s3], $0x200, $0x38;
	[tilespmem:$0x10200] =	vst v63  }
0x2c: {  	_ =	swait.ge [sflag:s4], $0x200  }
0x2d: {  	[sflag:s4] =	ssyncset.done $0x0  }
0x2e: {  	[sflag:s4] =	ssyncadd.s32 $0xFFFFFE00  }
0x2f: {  	[tilespmem:s6], [sflag:$0x1] =	stream.indirect.gather [hbm4b:s2+s6], $0x80, s3, s6, $0xb8;
	[tilespmem:$0x10200] =	vst v63  }
0x30: {  	_ =	swait.ge [sflag:s7], $0x10000  }
.Ltmp1:
0x31: {  	[sflag:s7] =	ssyncset.done $0x0;
	(pc) =	sbr.rel @p0 .LBB2_1-.Ltmp1, $4  }
0x32: {  	[sflag:s7] =	ssyncadd.s32 $0xFFFF0000  }
0x33: {  	[hbm4b:s10+s3] =	stream.linear.scatter [tilespmem:s6], [sflag:$0x2], $0x10000, $0x38;
	[tilespmem:$0x10200] =	vst v63  }
0x34: {  	_ =	swait.ge [sflag:s4], $0x10000  }
0x35: {  	[sflag:s4] =	ssyncset.done $0x0  }
.LBB2_2:
0x36: {  	[sflag:s4] =	ssyncadd.s32 $0xFFFF0000  }
0x37: {  	_ =	sfence.sel $0x180000  }
0x38: {  	[bflag:$0x0] =	sbarrier.arrive $0xFFFF  }
0x39: {  	p0 =	sne.s32 s0, $0x0;
	_ =	strace $0x90000047  }
0x3a: {  	s0 =	sadd.s32 @!p0 $0x100000, s1;
	[bflag:$0x2] =	sbarrier.arrive $0xFFFF  }
0x3b: {  	[sflag:s0] =	ssyncadd.tile.s32 @!p0 $0x1;
	_ =	shalt  }
.Lfunc_end2:
_tile_overlayer_lowered:
.L_overlay_start_2:
0x3c: {  	(tag) =	ssettag $0x2  }
0x3d: {  	s0 =	rddreg [dreg:$0x0];
	s2 =	stileid.u32  }
0x3e: {  	s1 =	rddreg [dreg:$0x1];
	p0 =	sne.s32 s2, $0x0  }
0x3f: {  	s3 =	rddreg [dreg:$0x2];
	[bflag:$0x3] =	sbarrier.arrive $0xFFFF;
	s2 =	simm.s32 @!p0 $0x1C02  }
0x40: {  	[timem:s3], [sflag:s2] =	dma.local @!p0 [hbm:s0], s1  }
0x41: {  	s0 =	simm.s32 @!p0 $0x2  }
0x42: {  	_ =	swait.ge @!p0 [sflag:s0], s1  }
0x43: {  	s1 =	ssub.s32 @!p0 $0x0, s1;
	[sflag:s0] =	ssyncset.done @!p0 $0x0  }
0x44: {  	[sflag:s0] =	ssyncadd.s32 @!p0 s1  }
0x45: {  	[bflag:$0x3] =	sbarrier.arrive $0xFFFF  }
0x46: {  	_ =	shalt  }

</sc_bundles>
